<compile_context>
chip_gen: v7x
topology: tpu7x:2x2x1
jax: 0.10.2.dev20260603
libtpu: 0.0.44.dev20260713+nightly
codegen_flags: <defaults>
</compile_context>

<pallas_src>
import jax
import jax.numpy as jnp
from jax import lax
from jax.experimental import pallas as pl
from jax.experimental.pallas import tpu as pltpu
from jax.experimental.pallas import tpu_sc as plsc

N_NODES = 10000
D = 128
N_EDGES = 320000

NC = 2
NS = 16
NW = NC * NS
E_PER_TILE = N_EDGES // NW
CH = 128
N_CHUNKS = 79
E_TILE_PAD = N_CHUNKS * CH
CH_P = 80
N_CHUNKS_P = E_PER_TILE // CH_P
N_PAD = 10240
ROWS_PER_TILE = N_PAD // NS
DEG_W = 16

ROW_BLK = 1000

_sc_mesh = plsc.VectorSubcoreMesh(core_axis_name="c", subcore_axis_name="s")



def _deg_body(dst_hbm, ones_hbm, zeros_hbm, deg_out, idx_v, ones_v, shared_deg):
    c = lax.axis_index("c")
    s = lax.axis_index("s")
    base = (c * NS + s) * E_TILE_PAD
    row0 = s * ROWS_PER_TILE
    pltpu.sync_copy(zeros_hbm.at[pl.ds(row0, ROWS_PER_TILE)],
                    shared_deg.at[pl.ds(row0, ROWS_PER_TILE)])
    pltpu.sync_copy(ones_hbm, ones_v)
    plsc.subcore_barrier()

    def body(i, carry):
        pltpu.sync_copy(dst_hbm.at[pl.ds(base + i * CH, CH)], idx_v)
        pltpu.sync_copy(ones_v, shared_deg.at[idx_v], add=True)
        return carry

    lax.fori_loop(0, N_CHUNKS, body, 0)
    plsc.subcore_barrier()
    pltpu.sync_copy(shared_deg.at[pl.ds(row0, ROWS_PER_TILE)],
                    deg_out.at[c, pl.ds(row0, ROWS_PER_TILE)])


_deg_call = pl.kernel(
    _deg_body,
    out_type=jax.ShapeDtypeStruct((NC, N_PAD, D), jnp.float32),
    mesh=_sc_mesh,
    scratch_types=[
        pltpu.VMEM((CH,), jnp.int32),
        pltpu.VMEM((CH, D), jnp.float32),
        pltpu.VMEM_SHARED((N_PAD, D), jnp.float32),
    ],
)


def _prop_body(g_hbm, src_hbm, dst_hbm, zeros_hbm, s_out,
               idx_s, idx_d, rows_v, shared_s, sem):
    c = lax.axis_index("c")
    s = lax.axis_index("s")
    base = (c * NS + s) * E_PER_TILE
    row0 = s * ROWS_PER_TILE
    pltpu.sync_copy(zeros_hbm.at[pl.ds(row0, ROWS_PER_TILE)],
                    shared_s.at[pl.ds(row0, ROWS_PER_TILE)])
    pltpu.sync_copy(src_hbm.at[pl.ds(base, E_PER_TILE)], idx_s)
    plsc.subcore_barrier()

    def body(i, carry):
        pltpu.sync_copy(dst_hbm.at[pl.ds(base + i * CH_P, CH_P)], idx_d)
        pltpu.async_copy(g_hbm.at[idx_s.at[pl.ds(i * CH_P, CH_P)]],
                         rows_v, sem).wait()
        pltpu.sync_copy(rows_v, shared_s.at[idx_d], add=True)
        return carry

    lax.fori_loop(0, N_CHUNKS_P, body, 0)
    plsc.subcore_barrier()
    pltpu.sync_copy(shared_s.at[pl.ds(row0, ROWS_PER_TILE)],
                    s_out.at[c, pl.ds(row0, ROWS_PER_TILE)])


_prop_call = pl.kernel(
    _prop_body,
    out_type=jax.ShapeDtypeStruct((NC, N_PAD, D), jnp.float32),
    mesh=_sc_mesh,
    scratch_types=[
        pltpu.VMEM((E_PER_TILE,), jnp.int32),
        pltpu.VMEM((CH_P,), jnp.int32),
        pltpu.VMEM((CH_P, D), jnp.float32),
        pltpu.VMEM_SHARED((N_PAD, D), jnp.float32),
        pltpu.SemaphoreType.DMA,
    ],
)



def _dinv(deg_ref):
    deg = deg_ref[0, :, :1] + deg_ref[1, :, :1] + 1.0
    return lax.rsqrt(deg)


def _mm_scale_kernel(x_ref, w_ref, deg_ref, o_ref):
    h = jnp.dot(x_ref[...], w_ref[...], preferred_element_type=jnp.float32)
    o_ref[...] = h * _dinv(deg_ref)


def _combine_mm_kernel(s_ref, g_ref, b_ref, w_ref, deg_ref, o_ref):
    dinv = _dinv(deg_ref)
    h = jnp.maximum(dinv * (s_ref[0] + s_ref[1] + g_ref[...])
                    + b_ref[...], 0.0)
    o_ref[...] = jnp.dot(h, w_ref[...],
                         preferred_element_type=jnp.float32) * dinv


def _final_kernel(s_ref, g_ref, b_ref, deg_ref, o_ref):
    o_ref[...] = (_dinv(deg_ref)
                  * (s_ref[0] + s_ref[1] + g_ref[...]) + b_ref[...])


def _row_blk(i):
    return (i, 0)


_nd_spec = pl.BlockSpec((ROW_BLK, D), _row_blk)
_s_spec = pl.BlockSpec((NC, ROW_BLK, D), lambda i: (0, i, 0))
_deg_spec = pl.BlockSpec((NC, ROW_BLK, D), lambda i: (0, i, 0))
_w_spec = pl.BlockSpec((D, D), lambda i: (0, 0))
_b_spec = pl.BlockSpec((1, D), lambda i: (0, 0))
_grid = (N_NODES // ROW_BLK,)
_out_nd = jax.ShapeDtypeStruct((N_NODES, D), jnp.float32)


def _mm_scale(x, w, deg):
    return pl.pallas_call(
        _mm_scale_kernel,
        grid=_grid,
        in_specs=[_nd_spec, _w_spec, _deg_spec],
        out_specs=_nd_spec,
        out_shape=_out_nd,
    )(x, w, deg)


def _combine_mm(s, g, b, w, deg):
    return pl.pallas_call(
        _combine_mm_kernel,
        grid=_grid,
        in_specs=[_s_spec, _nd_spec, _b_spec, _w_spec, _deg_spec],
        out_specs=_nd_spec,
        out_shape=_out_nd,
    )(s, g, b, w, deg)


def _final(s, g, b, deg):
    return pl.pallas_call(
        _final_kernel,
        grid=_grid,
        in_specs=[_s_spec, _nd_spec, _b_spec, _deg_spec],
        out_specs=_nd_spec,
        out_shape=_out_nd,
    )(s, g, b, deg)



@jax.jit
def _run(x, src, dst, dstp, W1, b1, W2, b2):
    ones_ch = jnp.ones((CH, D), jnp.float32)
    zeros_nd = jnp.zeros((N_PAD, D), jnp.float32)
    b1r = b1.reshape(1, D)
    b2r = b2.reshape(1, D)

    deg = _deg_call(dstp, ones_ch, zeros_nd)
    g1 = _mm_scale(x, W1, deg)
    s1 = _prop_call(g1, src, dst, zeros_nd)
    g2 = _combine_mm(s1, g1, b1r, W2, deg)
    s2 = _prop_call(g2, src, dst, zeros_nd)
    return _final(s2, g2, b2r, deg)


def kernel(x, edge_index, W1, b1, W2, b2):
    ei = edge_index.astype(jnp.int32)
    pad = ((0, 0), (0, E_TILE_PAD - E_PER_TILE))
    dst_p = jnp.pad(ei[1].reshape(NW, E_PER_TILE), pad,
                    constant_values=N_PAD - 1).reshape(-1)
    return _run(x, ei[0], ei[1], dst_p, W1, b1, W2, b2)

# --- scband reference (transcript-rebuilt; emitter-appended) ---
"""Pipeline reference for scband-gcn-62483184222721 (READ-ONLY COPY).

The authoritative reference and input builder live on the scoring server;
editing this copy changes nothing except your own understanding.
"""

import jax, jax.numpy as jnp
import numpy as np

N_NODES = 10000
D_IN = 128
D_HID = 128
D_OUT = 128
N_EDGES = 320000


def gcn_conv(x, src, dst, W, b, num_nodes):
    # PyG GCNConv: x' = D^{-1/2} (A + I) D^{-1/2} (x W) + b
    # 1) linear transform
    h = x @ W
    # 2) add self-loops
    loop = jnp.arange(num_nodes, dtype=src.dtype)
    src_sl = jnp.concatenate([src, loop])
    dst_sl = jnp.concatenate([dst, loop])
    # 3) symmetric normalization: deg counted on dst with self-loops
    deg = jnp.zeros((num_nodes,), dtype=h.dtype).at[dst_sl].add(1.0)
    deg_inv_sqrt = jnp.where(deg > 0, jax.lax.rsqrt(jnp.maximum(deg, 1.0)), 0.0)
    norm = deg_inv_sqrt[src_sl] * deg_inv_sqrt[dst_sl]
    # 4) gather messages from src, scale, scatter-add into dst
    msgs = h[src_sl] * norm[:, None]
    out = jnp.zeros((num_nodes, h.shape[1]), dtype=h.dtype).at[dst_sl].add(msgs)
    return out + b


def setup_inputs(seed: int = 0) -> dict:
    key = jax.random.key(seed)
    k_x, k_e, k_w1, k_b1, k_w2, k_b2 = jax.random.split(key, 6)
    x = jax.random.normal(k_x, (N_NODES, D_IN), dtype=jnp.float32)
    edge_index = jax.random.randint(k_e, (2, N_EDGES), 0, N_NODES, dtype=jnp.int64)
    s1 = 1.0 / np.sqrt(D_IN)
    s2 = 1.0 / np.sqrt(D_HID)
    W1 = jax.random.uniform(k_w1, (D_IN, D_HID), dtype=jnp.float32, minval=-s1, maxval=s1)
    b1 = jax.random.uniform(k_b1, (D_HID,), dtype=jnp.float32, minval=-s1, maxval=s1)
    W2 = jax.random.uniform(k_w2, (D_HID, D_OUT), dtype=jnp.float32, minval=-s2, maxval=s2)
    b2 = jax.random.uniform(k_b2, (D_OUT,), dtype=jnp.float32, minval=-s2, maxval=s2)
    return {"x": x, "edge_index": edge_index, "W1": W1, "b1": b1, "W2": W2, "b2": b2}


def reference(x, edge_index, W1, b1, W2, b2):
    src = edge_index[0]
    dst = edge_index[1]
    h = gcn_conv(x, src, dst, W1, b1, N_NODES)
    h = jax.nn.relu(h)
    out = gcn_conv(h, src, dst, W2, b2, N_NODES)
    return out

if __name__ == "__main__":
    import jax
    _d = setup_inputs()
    print(jax.jit(kernel)(*tuple(_d.values())))

</pallas_src>

<mosaic_0001>
#map = affine_map<(d0, d1) -> (0, 0)>
#map1 = affine_map<(d0, d1) -> (0)>
#map2 = affine_map<(d0, d1) -> (0, 0, 0)>
module attributes {stable_mosaic.version = 14 : i64} {
  func.func @_prop_body(%arg0: i32, %arg1: i32, %arg2: memref<10000x128xf32, #tpu.memory_space<hbm>>, %arg3: memref<320000xi32, #tpu.memory_space<hbm>>, %arg4: memref<320000xi32, #tpu.memory_space<hbm>>, %arg5: memref<10240x128xf32, #tpu.memory_space<hbm>>, %arg6: memref<2x10240x128xf32, #tpu.memory_space<hbm>>, %arg7: memref<10000xi32, #tpu.memory_space<vmem>>, %arg8: memref<80xi32, #tpu.memory_space<vmem>>, %arg9: memref<80x128xf32, #tpu.memory_space<vmem>>, %arg10: memref<10240x128xf32, #tpu.memory_space<vmem_shared>>, %arg11: memref<!tpu.dma_semaphore, #tpu.memory_space<semaphore_mem>>) attributes {dimension_semantics = [#tpu.dimension_semantics<core_parallel>, #tpu.dimension_semantics<subcore_parallel>], iteration_bounds = array<i64: 2, 16>, scalar_prefetch = 0 : i64, scratch_operands = 5 : i64, tpu.core_type = #tpu.core_type<sc_vector_subcore>, window_params = [{transform_indices = #map}, {transform_indices = #map1}, {transform_indices = #map1}, {transform_indices = #map}, {transform_indices = #map2}]} {
    %mul3A = arith.constant 16 : i32
    %mul3A_0 = arith.muli %arg0, %mul3A : i32
    %add3A = arith.addi %mul3A_0, %arg1 : i32
    %mul3A_1 = arith.constant 10000 : i32
    %mul3A_2 = arith.muli %add3A, %mul3A_1 : i32
    %mul3A_3 = arith.constant 640 : i32
    %mul3A_4 = arith.muli %arg1, %mul3A_3 : i32
    "tpu.region"() ({
      %run_scoped3A = tpu.sem_alloc : memref<!tpu.dma_semaphore, #tpu.memory_space<semaphore_mem>>
      %dma_start3A = arith.constant 0 : i32
      %dma_start3A_11 = tpu.memref_slice %arg10[%mul3A_4, %dma_start3A] : memref<10240x128xf32, #tpu.memory_space<vmem_shared>> -> memref<640x128xf32, #tpu.memory_space<vmem_shared>>
      %dma_start3A_12 = arith.constant 0 : i32
      %dma_start3A_13 = tpu.memref_slice %arg5[%mul3A_4, %dma_start3A_12] : memref<10240x128xf32, #tpu.memory_space<hbm>> -> memref<640x128xf32, #tpu.memory_space<hbm>>
      tpu.enqueue_dma source(%dma_start3A_13 : memref<640x128xf32, #tpu.memory_space<hbm>>) target(%dma_start3A_11 : memref<640x128xf32, #tpu.memory_space<vmem_shared>>) target_semaphore(%run_scoped3A : memref<!tpu.dma_semaphore, #tpu.memory_space<semaphore_mem>>)
      %dma_wait3A = arith.constant 0 : i32
      %dma_wait3A_14 = tpu.memref_slice %arg10[%mul3A_4, %dma_wait3A] : memref<10240x128xf32, #tpu.memory_space<vmem_shared>> -> memref<640x128xf32, #tpu.memory_space<vmem_shared>>
      %dma_wait3A_15 = arith.constant 0 : i32
      %dma_wait3A_16 = tpu.memref_slice %arg5[%mul3A_4, %dma_wait3A_15] : memref<10240x128xf32, #tpu.memory_space<hbm>> -> memref<640x128xf32, #tpu.memory_space<hbm>>
      tpu.wait_dma2 semaphore(%run_scoped3A : memref<!tpu.dma_semaphore, #tpu.memory_space<semaphore_mem>>) src(%dma_wait3A_16 : memref<640x128xf32, #tpu.memory_space<hbm>>) dst(%dma_wait3A_14 : memref<640x128xf32, #tpu.memory_space<vmem_shared>>)
      tpu.yield
    }) : () -> ()
    "tpu.region"() ({
      %run_scoped3A = tpu.sem_alloc : memref<!tpu.dma_semaphore, #tpu.memory_space<semaphore_mem>>
      %dma_start3A = tpu.memref_slice %arg3[%mul3A_2] : memref<320000xi32, #tpu.memory_space<hbm>> -> memref<10000xi32, #tpu.memory_space<hbm>>
      %dma_start3A_11 = tpu.memref_slice %arg3[%mul3A_2] : memref<320000xi32, #tpu.memory_space<hbm>> -> memref<10000xi32, #tpu.memory_space<hbm>>
      tpu.enqueue_dma source(%dma_start3A_11 : memref<10000xi32, #tpu.memory_space<hbm>>) target(%arg7 : memref<10000xi32, #tpu.memory_space<vmem>>) target_semaphore(%run_scoped3A : memref<!tpu.dma_semaphore, #tpu.memory_space<semaphore_mem>>)
      %dma_wait3A = tpu.memref_slice %arg3[%mul3A_2] : memref<320000xi32, #tpu.memory_space<hbm>> -> memref<10000xi32, #tpu.memory_space<hbm>>
      %dma_wait3A_12 = tpu.memref_slice %arg3[%mul3A_2] : memref<320000xi32, #tpu.memory_space<hbm>> -> memref<10000xi32, #tpu.memory_space<hbm>>
      tpu.wait_dma2 semaphore(%run_scoped3A : memref<!tpu.dma_semaphore, #tpu.memory_space<semaphore_mem>>) src(%dma_wait3A_12 : memref<10000xi32, #tpu.memory_space<hbm>>) dst(%arg7 : memref<10000xi32, #tpu.memory_space<vmem>>)
      tpu.yield
    }) : () -> ()
    %barrier3A = arith.constant 0 : index
    tpu.barrier barrier_id(%barrier3A)
    %scan3A = arith.constant 0 : i32
    %scan3A_5 = arith.constant 0 : i32
    %scan3A_6 = arith.constant 125 : i32
    %scan3A_7 = arith.addi %scan3A_5, %scan3A_6 : i32
    %scan3A_8 = arith.constant 1 : i32
    scf.for %scan3A_11 = %scan3A_5 to %scan3A_7 step %scan3A_8  : i32 {
      %mul3A_12 = arith.constant 80 : i32
      %mul3A_13 = arith.muli %scan3A_11, %mul3A_12 : i32
      %add3A_14 = arith.addi %mul3A_2, %mul3A_13 : i32
      "tpu.region"() ({
        %run_scoped3A = tpu.sem_alloc : memref<!tpu.dma_semaphore, #tpu.memory_space<semaphore_mem>>
        %dma_start3A_23 = tpu.memref_slice %arg4[%add3A_14] : memref<320000xi32, #tpu.memory_space<hbm>> -> memref<80xi32, #tpu.memory_space<hbm>>
        %dma_start3A_24 = tpu.memref_slice %arg4[%add3A_14] : memref<320000xi32, #tpu.memory_space<hbm>> -> memref<80xi32, #tpu.memory_space<hbm>>
        tpu.enqueue_dma source(%dma_start3A_24 : memref<80xi32, #tpu.memory_space<hbm>>) target(%arg8 : memref<80xi32, #tpu.memory_space<vmem>>) target_semaphore(%run_scoped3A : memref<!tpu.dma_semaphore, #tpu.memory_space<semaphore_mem>>)
        %dma_wait3A_25 = tpu.memref_slice %arg4[%add3A_14] : memref<320000xi32, #tpu.memory_space<hbm>> -> memref<80xi32, #tpu.memory_space<hbm>>
        %dma_wait3A_26 = tpu.memref_slice %arg4[%add3A_14] : memref<320000xi32, #tpu.memory_space<hbm>> -> memref<80xi32, #tpu.memory_space<hbm>>
        tpu.wait_dma2 semaphore(%run_scoped3A : memref<!tpu.dma_semaphore, #tpu.memory_space<semaphore_mem>>) src(%dma_wait3A_26 : memref<80xi32, #tpu.memory_space<hbm>>) dst(%arg8 : memref<80xi32, #tpu.memory_space<vmem>>)
        tpu.yield
      }) : () -> ()
      %mul3A_15 = arith.constant 80 : i32
      %mul3A_16 = arith.muli %scan3A_11, %mul3A_15 : i32
      %dma_start3A = tpu.memref_slice %arg7[%mul3A_16] : memref<10000xi32, #tpu.memory_space<vmem>> -> memref<80xi32, #tpu.memory_space<vmem>>
      %dma_start3A_17 = arith.constant 0 : i32
      %dma_start3A_18 = arith.constant 0 : i32
      %dma_start3A_19 = tpu.memref_slice %arg2[%dma_start3A_17, %dma_start3A_18] : memref<10000x128xf32, #tpu.memory_space<hbm>> -> memref<10000x128xf32, #tpu.memory_space<hbm>>
      tpu.enqueue_indirect_dma source(%dma_start3A_19 : memref<10000x128xf32, #tpu.memory_space<hbm>>) target(%arg9 : memref<80x128xf32, #tpu.memory_space<vmem>>) offsets(%dma_start3A : memref<80xi32, #tpu.memory_space<vmem>>) semaphore(%arg11 : memref<!tpu.dma_semaphore, #tpu.memory_space<semaphore_mem>>)
      %dma_wait3A = tpu.memref_slice %arg7[%mul3A_16] : memref<10000xi32, #tpu.memory_space<vmem>> -> memref<80xi32, #tpu.memory_space<vmem>>
      %dma_wait3A_20 = arith.constant 0 : i32
      %dma_wait3A_21 = arith.constant 0 : i32
      %dma_wait3A_22 = tpu.memref_slice %arg2[%dma_wait3A_20, %dma_wait3A_21] : memref<10000x128xf32, #tpu.memory_space<hbm>> -> memref<10000x128xf32, #tpu.memory_space<hbm>>
      tpu.wait_indirect_dma semaphore(%arg11 : memref<!tpu.dma_semaphore, #tpu.memory_space<semaphore_mem>>) src(%dma_wait3A_22 : memref<10000x128xf32, #tpu.memory_space<hbm>>) dst(%arg9 : memref<80x128xf32, #tpu.memory_space<vmem>>)
      "tpu.region"() ({
        %run_scoped3A = tpu.sem_alloc : memref<!tpu.dma_semaphore, #tpu.memory_space<semaphore_mem>>
        %dma_start3A_23 = arith.constant 0 : i32
        %dma_start3A_24 = arith.constant 0 : i32
        %dma_start3A_25 = tpu.memref_slice %arg10[%dma_start3A_23, %dma_start3A_24] : memref<10240x128xf32, #tpu.memory_space<vmem_shared>> -> memref<10240x128xf32, #tpu.memory_space<vmem_shared>>
        tpu.enqueue_indirect_dma source(%arg9 : memref<80x128xf32, #tpu.memory_space<vmem>>) target(%dma_start3A_25 : memref<10240x128xf32, #tpu.memory_space<vmem_shared>>) offsets(%arg8 : memref<80xi32, #tpu.memory_space<vmem>>) semaphore(%run_scoped3A : memref<!tpu.dma_semaphore, #tpu.memory_space<semaphore_mem>>) {add = true}
        %dma_wait3A_26 = arith.constant 0 : i32
        %dma_wait3A_27 = arith.constant 0 : i32
        %dma_wait3A_28 = tpu.memref_slice %arg10[%dma_wait3A_26, %dma_wait3A_27] : memref<10240x128xf32, #tpu.memory_space<vmem_shared>> -> memref<10240x128xf32, #tpu.memory_space<vmem_shared>>
        tpu.wait_indirect_dma semaphore(%run_scoped3A : memref<!tpu.dma_semaphore, #tpu.memory_space<semaphore_mem>>) src(%arg9 : memref<80x128xf32, #tpu.memory_space<vmem>>) dst(%dma_wait3A_28 : memref<10240x128xf32, #tpu.memory_space<vmem_shared>>)
        tpu.yield
      }) : () -> ()
    }
    %scan3A_9 = arith.constant 125 : i32
    %barrier3A_10 = arith.constant 0 : index
    tpu.barrier barrier_id(%barrier3A_10)
    "tpu.region"() ({
      %run_scoped3A = tpu.sem_alloc : memref<!tpu.dma_semaphore, #tpu.memory_space<semaphore_mem>>
      %dma_start3A = arith.constant 0 : i32
      %dma_start3A_11 = tpu.memref_slice %arg6[%arg0, %mul3A_4, %dma_start3A] : memref<2x10240x128xf32, #tpu.memory_space<hbm>> -> memref<1x640x128xf32, #tpu.memory_space<hbm>>
      %dma_start3A_12 = tpu.memref_squeeze %dma_start3A_11 : memref<1x640x128xf32, #tpu.memory_space<hbm>> -> memref<640x128xf32, #tpu.memory_space<hbm>>
      %dma_start3A_13 = arith.constant 0 : i32
      %dma_start3A_14 = tpu.memref_slice %arg10[%mul3A_4, %dma_start3A_13] : memref<10240x128xf32, #tpu.memory_space<vmem_shared>> -> memref<640x128xf32, #tpu.memory_space<vmem_shared>>
      tpu.enqueue_dma source(%dma_start3A_14 : memref<640x128xf32, #tpu.memory_space<vmem_shared>>) target(%dma_start3A_12 : memref<640x128xf32, #tpu.memory_space<hbm>>) target_semaphore(%run_scoped3A : memref<!tpu.dma_semaphore, #tpu.memory_space<semaphore_mem>>)
      %dma_wait3A = arith.constant 0 : i32
      %dma_wait3A_15 = tpu.memref_slice %arg6[%arg0, %mul3A_4, %dma_wait3A] : memref<2x10240x128xf32, #tpu.memory_space<hbm>> -> memref<1x640x128xf32, #tpu.memory_space<hbm>>
      %dma_wait3A_16 = tpu.memref_squeeze %dma_wait3A_15 : memref<1x640x128xf32, #tpu.memory_space<hbm>> -> memref<640x128xf32, #tpu.memory_space<hbm>>
      %dma_wait3A_17 = arith.constant 0 : i32
      %dma_wait3A_18 = tpu.memref_slice %arg10[%mul3A_4, %dma_wait3A_17] : memref<10240x128xf32, #tpu.memory_space<vmem_shared>> -> memref<640x128xf32, #tpu.memory_space<vmem_shared>>
      tpu.wait_dma2 semaphore(%run_scoped3A : memref<!tpu.dma_semaphore, #tpu.memory_space<semaphore_mem>>) src(%dma_wait3A_18 : memref<640x128xf32, #tpu.memory_space<vmem_shared>>) dst(%dma_wait3A_16 : memref<640x128xf32, #tpu.memory_space<hbm>>)
      tpu.yield
    }) : () -> ()
    return
  }
}

#map = affine_map<(d0, d1) -> (0)>
#map1 = affine_map<(d0, d1) -> (0, 0)>
#map2 = affine_map<(d0, d1) -> (0, 0, 0)>
module attributes {stable_mosaic.version = 14 : i64} {
  func.func @_deg_body(%arg0: i32, %arg1: i32, %arg2: memref<323584xi32, #tpu.memory_space<hbm>>, %arg3: memref<128x128xf32, #tpu.memory_space<hbm>>, %arg4: memref<10240x128xf32, #tpu.memory_space<hbm>>, %arg5: memref<2x10240x128xf32, #tpu.memory_space<hbm>>, %arg6: memref<128xi32, #tpu.memory_space<vmem>>, %arg7: memref<128x128xf32, #tpu.memory_space<vmem>>, %arg8: memref<10240x128xf32, #tpu.memory_space<vmem_shared>>) attributes {dimension_semantics = [#tpu.dimension_semantics<core_parallel>, #tpu.dimension_semantics<subcore_parallel>], iteration_bounds = array<i64: 2, 16>, scalar_prefetch = 0 : i64, scratch_operands = 3 : i64, tpu.core_type = #tpu.core_type<sc_vector_subcore>, window_params = [{transform_indices = #map}, {transform_indices = #map1}, {transform_indices = #map1}, {transform_indices = #map2}]} {
    %mul3A = arith.constant 16 : i32
    %mul3A_0 = arith.muli %arg0, %mul3A : i32
    %add3A = arith.addi %mul3A_0, %arg1 : i32
    %mul3A_1 = arith.constant 10112 : i32
    %mul3A_2 = arith.muli %add3A, %mul3A_1 : i32
    %mul3A_3 = arith.constant 640 : i32
    %mul3A_4 = arith.muli %arg1, %mul3A_3 : i32
    "tpu.region"() ({
      %run_scoped3A = tpu.sem_alloc : memref<!tpu.dma_semaphore, #tpu.memory_space<semaphore_mem>>
      %dma_start3A = arith.constant 0 : i32
      %dma_start3A_11 = tpu.memref_slice %arg8[%mul3A_4, %dma_start3A] : memref<10240x128xf32, #tpu.memory_space<vmem_shared>> -> memref<640x128xf32, #tpu.memory_space<vmem_shared>>
      %dma_start3A_12 = arith.constant 0 : i32
      %dma_start3A_13 = tpu.memref_slice %arg4[%mul3A_4, %dma_start3A_12] : memref<10240x128xf32, #tpu.memory_space<hbm>> -> memref<640x128xf32, #tpu.memory_space<hbm>>
      tpu.enqueue_dma source(%dma_start3A_13 : memref<640x128xf32, #tpu.memory_space<hbm>>) target(%dma_start3A_11 : memref<640x128xf32, #tpu.memory_space<vmem_shared>>) target_semaphore(%run_scoped3A : memref<!tpu.dma_semaphore, #tpu.memory_space<semaphore_mem>>)
      %dma_wait3A = arith.constant 0 : i32
      %dma_wait3A_14 = tpu.memref_slice %arg8[%mul3A_4, %dma_wait3A] : memref<10240x128xf32, #tpu.memory_space<vmem_shared>> -> memref<640x128xf32, #tpu.memory_space<vmem_shared>>
      %dma_wait3A_15 = arith.constant 0 : i32
      %dma_wait3A_16 = tpu.memref_slice %arg4[%mul3A_4, %dma_wait3A_15] : memref<10240x128xf32, #tpu.memory_space<hbm>> -> memref<640x128xf32, #tpu.memory_space<hbm>>
      tpu.wait_dma2 semaphore(%run_scoped3A : memref<!tpu.dma_semaphore, #tpu.memory_space<semaphore_mem>>) src(%dma_wait3A_16 : memref<640x128xf32, #tpu.memory_space<hbm>>) dst(%dma_wait3A_14 : memref<640x128xf32, #tpu.memory_space<vmem_shared>>)
      tpu.yield
    }) : () -> ()
    "tpu.region"() ({
      %run_scoped3A = tpu.sem_alloc : memref<!tpu.dma_semaphore, #tpu.memory_space<semaphore_mem>>
      tpu.enqueue_dma source(%arg3 : memref<128x128xf32, #tpu.memory_space<hbm>>) target(%arg7 : memref<128x128xf32, #tpu.memory_space<vmem>>) target_semaphore(%run_scoped3A : memref<!tpu.dma_semaphore, #tpu.memory_space<semaphore_mem>>)
      tpu.wait_dma2 semaphore(%run_scoped3A : memref<!tpu.dma_semaphore, #tpu.memory_space<semaphore_mem>>) src(%arg3 : memref<128x128xf32, #tpu.memory_space<hbm>>) dst(%arg7 : memref<128x128xf32, #tpu.memory_space<vmem>>)
      tpu.yield
    }) : () -> ()
    %barrier3A = arith.constant 0 : index
    tpu.barrier barrier_id(%barrier3A)
    %scan3A = arith.constant 0 : i32
    %scan3A_5 = arith.constant 0 : i32
    %scan3A_6 = arith.constant 79 : i32
    %scan3A_7 = arith.addi %scan3A_5, %scan3A_6 : i32
    %scan3A_8 = arith.constant 1 : i32
    scf.for %scan3A_11 = %scan3A_5 to %scan3A_7 step %scan3A_8  : i32 {
      %mul3A_12 = arith.constant 128 : i32
      %mul3A_13 = arith.muli %scan3A_11, %mul3A_12 : i32
      %add3A_14 = arith.addi %mul3A_2, %mul3A_13 : i32
      "tpu.region"() ({
        %run_scoped3A = tpu.sem_alloc : memref<!tpu.dma_semaphore, #tpu.memory_space<semaphore_mem>>
        %dma_start3A = tpu.memref_slice %arg2[%add3A_14] : memref<323584xi32, #tpu.memory_space<hbm>> -> memref<128xi32, #tpu.memory_space<hbm>>
        %dma_start3A_15 = tpu.memref_slice %arg2[%add3A_14] : memref<323584xi32, #tpu.memory_space<hbm>> -> memref<128xi32, #tpu.memory_space<hbm>>
        tpu.enqueue_dma source(%dma_start3A_15 : memref<128xi32, #tpu.memory_space<hbm>>) target(%arg6 : memref<128xi32, #tpu.memory_space<vmem>>) target_semaphore(%run_scoped3A : memref<!tpu.dma_semaphore, #tpu.memory_space<semaphore_mem>>)
        %dma_wait3A = tpu.memref_slice %arg2[%add3A_14] : memref<323584xi32, #tpu.memory_space<hbm>> -> memref<128xi32, #tpu.memory_space<hbm>>
        %dma_wait3A_16 = tpu.memref_slice %arg2[%add3A_14] : memref<323584xi32, #tpu.memory_space<hbm>> -> memref<128xi32, #tpu.memory_space<hbm>>
        tpu.wait_dma2 semaphore(%run_scoped3A : memref<!tpu.dma_semaphore, #tpu.memory_space<semaphore_mem>>) src(%dma_wait3A_16 : memref<128xi32, #tpu.memory_space<hbm>>) dst(%arg6 : memref<128xi32, #tpu.memory_space<vmem>>)
        tpu.yield
      }) : () -> ()
      "tpu.region"() ({
        %run_scoped3A = tpu.sem_alloc : memref<!tpu.dma_semaphore, #tpu.memory_space<semaphore_mem>>
        %dma_start3A = arith.constant 0 : i32
        %dma_start3A_15 = arith.constant 0 : i32
        %dma_start3A_16 = tpu.memref_slice %arg8[%dma_start3A, %dma_start3A_15] : memref<10240x128xf32, #tpu.memory_space<vmem_shared>> -> memref<10240x128xf32, #tpu.memory_space<vmem_shared>>
        tpu.enqueue_indirect_dma source(%arg7 : memref<128x128xf32, #tpu.memory_space<vmem>>) target(%dma_start3A_16 : memref<10240x128xf32, #tpu.memory_space<vmem_shared>>) offsets(%arg6 : memref<128xi32, #tpu.memory_space<vmem>>) semaphore(%run_scoped3A : memref<!tpu.dma_semaphore, #tpu.memory_space<semaphore_mem>>) {add = true}
        %dma_wait3A = arith.constant 0 : i32
        %dma_wait3A_17 = arith.constant 0 : i32
        %dma_wait3A_18 = tpu.memref_slice %arg8[%dma_wait3A, %dma_wait3A_17] : memref<10240x128xf32, #tpu.memory_space<vmem_shared>> -> memref<10240x128xf32, #tpu.memory_space<vmem_shared>>
        tpu.wait_indirect_dma semaphore(%run_scoped3A : memref<!tpu.dma_semaphore, #tpu.memory_space<semaphore_mem>>) src(%arg7 : memref<128x128xf32, #tpu.memory_space<vmem>>) dst(%dma_wait3A_18 : memref<10240x128xf32, #tpu.memory_space<vmem_shared>>)
        tpu.yield
      }) : () -> ()
    }
    %scan3A_9 = arith.constant 79 : i32
    %barrier3A_10 = arith.constant 0 : index
    tpu.barrier barrier_id(%barrier3A_10)
    "tpu.region"() ({
      %run_scoped3A = tpu.sem_alloc : memref<!tpu.dma_semaphore, #tpu.memory_space<semaphore_mem>>
      %dma_start3A = arith.constant 0 : i32
      %dma_start3A_11 = tpu.memref_slice %arg5[%arg0, %mul3A_4, %dma_start3A] : memref<2x10240x128xf32, #tpu.memory_space<hbm>> -> memref<1x640x128xf32, #tpu.memory_space<hbm>>
      %dma_start3A_12 = tpu.memref_squeeze %dma_start3A_11 : memref<1x640x128xf32, #tpu.memory_space<hbm>> -> memref<640x128xf32, #tpu.memory_space<hbm>>
      %dma_start3A_13 = arith.constant 0 : i32
      %dma_start3A_14 = tpu.memref_slice %arg8[%mul3A_4, %dma_start3A_13] : memref<10240x128xf32, #tpu.memory_space<vmem_shared>> -> memref<640x128xf32, #tpu.memory_space<vmem_shared>>
      tpu.enqueue_dma source(%dma_start3A_14 : memref<640x128xf32, #tpu.memory_space<vmem_shared>>) target(%dma_start3A_12 : memref<640x128xf32, #tpu.memory_space<hbm>>) target_semaphore(%run_scoped3A : memref<!tpu.dma_semaphore, #tpu.memory_space<semaphore_mem>>)
      %dma_wait3A = arith.constant 0 : i32
      %dma_wait3A_15 = tpu.memref_slice %arg5[%arg0, %mul3A_4, %dma_wait3A] : memref<2x10240x128xf32, #tpu.memory_space<hbm>> -> memref<1x640x128xf32, #tpu.memory_space<hbm>>
      %dma_wait3A_16 = tpu.memref_squeeze %dma_wait3A_15 : memref<1x640x128xf32, #tpu.memory_space<hbm>> -> memref<640x128xf32, #tpu.memory_space<hbm>>
      %dma_wait3A_17 = arith.constant 0 : i32
      %dma_wait3A_18 = tpu.memref_slice %arg8[%mul3A_4, %dma_wait3A_17] : memref<10240x128xf32, #tpu.memory_space<vmem_shared>> -> memref<640x128xf32, #tpu.memory_space<vmem_shared>>
      tpu.wait_dma2 semaphore(%run_scoped3A : memref<!tpu.dma_semaphore, #tpu.memory_space<semaphore_mem>>) src(%dma_wait3A_18 : memref<640x128xf32, #tpu.memory_space<vmem_shared>>) dst(%dma_wait3A_16 : memref<640x128xf32, #tpu.memory_space<hbm>>)
      tpu.yield
    }) : () -> ()
    return
  }
}

#map = affine_map<(d0, d1) -> (0, 0)>
#map1 = affine_map<(d0, d1) -> (0)>
#map2 = affine_map<(d0, d1) -> (0, 0, 0)>
module attributes {stable_mosaic.version = 14 : i64} {
  func.func @_prop_body(%arg0: i32, %arg1: i32, %arg2: memref<10000x128xf32, #tpu.memory_space<hbm>>, %arg3: memref<320000xi32, #tpu.memory_space<hbm>>, %arg4: memref<320000xi32, #tpu.memory_space<hbm>>, %arg5: memref<10240x128xf32, #tpu.memory_space<hbm>>, %arg6: memref<2x10240x128xf32, #tpu.memory_space<hbm>>, %arg7: memref<10000xi32, #tpu.memory_space<vmem>>, %arg8: memref<80xi32, #tpu.memory_space<vmem>>, %arg9: memref<80x128xf32, #tpu.memory_space<vmem>>, %arg10: memref<10240x128xf32, #tpu.memory_space<vmem_shared>>, %arg11: memref<!tpu.dma_semaphore, #tpu.memory_space<semaphore_mem>>) attributes {dimension_semantics = [#tpu.dimension_semantics<core_parallel>, #tpu.dimension_semantics<subcore_parallel>], iteration_bounds = array<i64: 2, 16>, scalar_prefetch = 0 : i64, scratch_operands = 5 : i64, tpu.core_type = #tpu.core_type<sc_vector_subcore>, window_params = [{transform_indices = #map}, {transform_indices = #map1}, {transform_indices = #map1}, {transform_indices = #map}, {transform_indices = #map2}]} {
    %mul3A = arith.constant 16 : i32
    %mul3A_0 = arith.muli %arg0, %mul3A : i32
    %add3A = arith.addi %mul3A_0, %arg1 : i32
    %mul3A_1 = arith.constant 10000 : i32
    %mul3A_2 = arith.muli %add3A, %mul3A_1 : i32
    %mul3A_3 = arith.constant 640 : i32
    %mul3A_4 = arith.muli %arg1, %mul3A_3 : i32
    "tpu.region"() ({
      %run_scoped3A = tpu.sem_alloc : memref<!tpu.dma_semaphore, #tpu.memory_space<semaphore_mem>>
      %dma_start3A = arith.constant 0 : i32
      %dma_start3A_11 = tpu.memref_slice %arg10[%mul3A_4, %dma_start3A] : memref<10240x128xf32, #tpu.memory_space<vmem_shared>> -> memref<640x128xf32, #tpu.memory_space<vmem_shared>>
      %dma_start3A_12 = arith.constant 0 : i32
      %dma_start3A_13 = tpu.memref_slice %arg5[%mul3A_4, %dma_start3A_12] : memref<10240x128xf32, #tpu.memory_space<hbm>> -> memref<640x128xf32, #tpu.memory_space<hbm>>
      tpu.enqueue_dma source(%dma_start3A_13 : memref<640x128xf32, #tpu.memory_space<hbm>>) target(%dma_start3A_11 : memref<640x128xf32, #tpu.memory_space<vmem_shared>>) target_semaphore(%run_scoped3A : memref<!tpu.dma_semaphore, #tpu.memory_space<semaphore_mem>>)
      %dma_wait3A = arith.constant 0 : i32
      %dma_wait3A_14 = tpu.memref_slice %arg10[%mul3A_4, %dma_wait3A] : memref<10240x128xf32, #tpu.memory_space<vmem_shared>> -> memref<640x128xf32, #tpu.memory_space<vmem_shared>>
      %dma_wait3A_15 = arith.constant 0 : i32
      %dma_wait3A_16 = tpu.memref_slice %arg5[%mul3A_4, %dma_wait3A_15] : memref<10240x128xf32, #tpu.memory_space<hbm>> -> memref<640x128xf32, #tpu.memory_space<hbm>>
      tpu.wait_dma2 semaphore(%run_scoped3A : memref<!tpu.dma_semaphore, #tpu.memory_space<semaphore_mem>>) src(%dma_wait3A_16 : memref<640x128xf32, #tpu.memory_space<hbm>>) dst(%dma_wait3A_14 : memref<640x128xf32, #tpu.memory_space<vmem_shared>>)
      tpu.yield
    }) : () -> ()
    "tpu.region"() ({
      %run_scoped3A = tpu.sem_alloc : memref<!tpu.dma_semaphore, #tpu.memory_space<semaphore_mem>>
      %dma_start3A = tpu.memref_slice %arg3[%mul3A_2] : memref<320000xi32, #tpu.memory_space<hbm>> -> memref<10000xi32, #tpu.memory_space<hbm>>
      %dma_start3A_11 = tpu.memref_slice %arg3[%mul3A_2] : memref<320000xi32, #tpu.memory_space<hbm>> -> memref<10000xi32, #tpu.memory_space<hbm>>
      tpu.enqueue_dma source(%dma_start3A_11 : memref<10000xi32, #tpu.memory_space<hbm>>) target(%arg7 : memref<10000xi32, #tpu.memory_space<vmem>>) target_semaphore(%run_scoped3A : memref<!tpu.dma_semaphore, #tpu.memory_space<semaphore_mem>>)
      %dma_wait3A = tpu.memref_slice %arg3[%mul3A_2] : memref<320000xi32, #tpu.memory_space<hbm>> -> memref<10000xi32, #tpu.memory_space<hbm>>
      %dma_wait3A_12 = tpu.memref_slice %arg3[%mul3A_2] : memref<320000xi32, #tpu.memory_space<hbm>> -> memref<10000xi32, #tpu.memory_space<hbm>>
      tpu.wait_dma2 semaphore(%run_scoped3A : memref<!tpu.dma_semaphore, #tpu.memory_space<semaphore_mem>>) src(%dma_wait3A_12 : memref<10000xi32, #tpu.memory_space<hbm>>) dst(%arg7 : memref<10000xi32, #tpu.memory_space<vmem>>)
      tpu.yield
    }) : () -> ()
    %barrier3A = arith.constant 0 : index
    tpu.barrier barrier_id(%barrier3A)
    %scan3A = arith.constant 0 : i32
    %scan3A_5 = arith.constant 0 : i32
    %scan3A_6 = arith.constant 125 : i32
    %scan3A_7 = arith.addi %scan3A_5, %scan3A_6 : i32
    %scan3A_8 = arith.constant 1 : i32
    scf.for %scan3A_11 = %scan3A_5 to %scan3A_7 step %scan3A_8  : i32 {
      %mul3A_12 = arith.constant 80 : i32
      %mul3A_13 = arith.muli %scan3A_11, %mul3A_12 : i32
      %add3A_14 = arith.addi %mul3A_2, %mul3A_13 : i32
      "tpu.region"() ({
        %run_scoped3A = tpu.sem_alloc : memref<!tpu.dma_semaphore, #tpu.memory_space<semaphore_mem>>
        %dma_start3A_23 = tpu.memref_slice %arg4[%add3A_14] : memref<320000xi32, #tpu.memory_space<hbm>> -> memref<80xi32, #tpu.memory_space<hbm>>
        %dma_start3A_24 = tpu.memref_slice %arg4[%add3A_14] : memref<320000xi32, #tpu.memory_space<hbm>> -> memref<80xi32, #tpu.memory_space<hbm>>
        tpu.enqueue_dma source(%dma_start3A_24 : memref<80xi32, #tpu.memory_space<hbm>>) target(%arg8 : memref<80xi32, #tpu.memory_space<vmem>>) target_semaphore(%run_scoped3A : memref<!tpu.dma_semaphore, #tpu.memory_space<semaphore_mem>>)
        %dma_wait3A_25 = tpu.memref_slice %arg4[%add3A_14] : memref<320000xi32, #tpu.memory_space<hbm>> -> memref<80xi32, #tpu.memory_space<hbm>>
        %dma_wait3A_26 = tpu.memref_slice %arg4[%add3A_14] : memref<320000xi32, #tpu.memory_space<hbm>> -> memref<80xi32, #tpu.memory_space<hbm>>
        tpu.wait_dma2 semaphore(%run_scoped3A : memref<!tpu.dma_semaphore, #tpu.memory_space<semaphore_mem>>) src(%dma_wait3A_26 : memref<80xi32, #tpu.memory_space<hbm>>) dst(%arg8 : memref<80xi32, #tpu.memory_space<vmem>>)
        tpu.yield
      }) : () -> ()
      %mul3A_15 = arith.constant 80 : i32
      %mul3A_16 = arith.muli %scan3A_11, %mul3A_15 : i32
      %dma_start3A = tpu.memref_slice %arg7[%mul3A_16] : memref<10000xi32, #tpu.memory_space<vmem>> -> memref<80xi32, #tpu.memory_space<vmem>>
      %dma_start3A_17 = arith.constant 0 : i32
      %dma_start3A_18 = arith.constant 0 : i32
      %dma_start3A_19 = tpu.memref_slice %arg2[%dma_start3A_17, %dma_start3A_18] : memref<10000x128xf32, #tpu.memory_space<hbm>> -> memref<10000x128xf32, #tpu.memory_space<hbm>>
      tpu.enqueue_indirect_dma source(%dma_start3A_19 : memref<10000x128xf32, #tpu.memory_space<hbm>>) target(%arg9 : memref<80x128xf32, #tpu.memory_space<vmem>>) offsets(%dma_start3A : memref<80xi32, #tpu.memory_space<vmem>>) semaphore(%arg11 : memref<!tpu.dma_semaphore, #tpu.memory_space<semaphore_mem>>)
      %dma_wait3A = tpu.memref_slice %arg7[%mul3A_16] : memref<10000xi32, #tpu.memory_space<vmem>> -> memref<80xi32, #tpu.memory_space<vmem>>
      %dma_wait3A_20 = arith.constant 0 : i32
      %dma_wait3A_21 = arith.constant 0 : i32
      %dma_wait3A_22 = tpu.memref_slice %arg2[%dma_wait3A_20, %dma_wait3A_21] : memref<10000x128xf32, #tpu.memory_space<hbm>> -> memref<10000x128xf32, #tpu.memory_space<hbm>>
      tpu.wait_indirect_dma semaphore(%arg11 : memref<!tpu.dma_semaphore, #tpu.memory_space<semaphore_mem>>) src(%dma_wait3A_22 : memref<10000x128xf32, #tpu.memory_space<hbm>>) dst(%arg9 : memref<80x128xf32, #tpu.memory_space<vmem>>)
      "tpu.region"() ({
        %run_scoped3A = tpu.sem_alloc : memref<!tpu.dma_semaphore, #tpu.memory_space<semaphore_mem>>
        %dma_start3A_23 = arith.constant 0 : i32
        %dma_start3A_24 = arith.constant 0 : i32
        %dma_start3A_25 = tpu.memref_slice %arg10[%dma_start3A_23, %dma_start3A_24] : memref<10240x128xf32, #tpu.memory_space<vmem_shared>> -> memref<10240x128xf32, #tpu.memory_space<vmem_shared>>
        tpu.enqueue_indirect_dma source(%arg9 : memref<80x128xf32, #tpu.memory_space<vmem>>) target(%dma_start3A_25 : memref<10240x128xf32, #tpu.memory_space<vmem_shared>>) offsets(%arg8 : memref<80xi32, #tpu.memory_space<vmem>>) semaphore(%run_scoped3A : memref<!tpu.dma_semaphore, #tpu.memory_space<semaphore_mem>>) {add = true}
        %dma_wait3A_26 = arith.constant 0 : i32
        %dma_wait3A_27 = arith.constant 0 : i32
        %dma_wait3A_28 = tpu.memref_slice %arg10[%dma_wait3A_26, %dma_wait3A_27] : memref<10240x128xf32, #tpu.memory_space<vmem_shared>> -> memref<10240x128xf32, #tpu.memory_space<vmem_shared>>
        tpu.wait_indirect_dma semaphore(%run_scoped3A : memref<!tpu.dma_semaphore, #tpu.memory_space<semaphore_mem>>) src(%arg9 : memref<80x128xf32, #tpu.memory_space<vmem>>) dst(%dma_wait3A_28 : memref<10240x128xf32, #tpu.memory_space<vmem_shared>>)
        tpu.yield
      }) : () -> ()
    }
    %scan3A_9 = arith.constant 125 : i32
    %barrier3A_10 = arith.constant 0 : index
    tpu.barrier barrier_id(%barrier3A_10)
    "tpu.region"() ({
      %run_scoped3A = tpu.sem_alloc : memref<!tpu.dma_semaphore, #tpu.memory_space<semaphore_mem>>
      %dma_start3A = arith.constant 0 : i32
      %dma_start3A_11 = tpu.memref_slice %arg6[%arg0, %mul3A_4, %dma_start3A] : memref<2x10240x128xf32, #tpu.memory_space<hbm>> -> memref<1x640x128xf32, #tpu.memory_space<hbm>>
      %dma_start3A_12 = tpu.memref_squeeze %dma_start3A_11 : memref<1x640x128xf32, #tpu.memory_space<hbm>> -> memref<640x128xf32, #tpu.memory_space<hbm>>
      %dma_start3A_13 = arith.constant 0 : i32
      %dma_start3A_14 = tpu.memref_slice %arg10[%mul3A_4, %dma_start3A_13] : memref<10240x128xf32, #tpu.memory_space<vmem_shared>> -> memref<640x128xf32, #tpu.memory_space<vmem_shared>>
      tpu.enqueue_dma source(%dma_start3A_14 : memref<640x128xf32, #tpu.memory_space<vmem_shared>>) target(%dma_start3A_12 : memref<640x128xf32, #tpu.memory_space<hbm>>) target_semaphore(%run_scoped3A : memref<!tpu.dma_semaphore, #tpu.memory_space<semaphore_mem>>)
      %dma_wait3A = arith.constant 0 : i32
      %dma_wait3A_15 = tpu.memref_slice %arg6[%arg0, %mul3A_4, %dma_wait3A] : memref<2x10240x128xf32, #tpu.memory_space<hbm>> -> memref<1x640x128xf32, #tpu.memory_space<hbm>>
      %dma_wait3A_16 = tpu.memref_squeeze %dma_wait3A_15 : memref<1x640x128xf32, #tpu.memory_space<hbm>> -> memref<640x128xf32, #tpu.memory_space<hbm>>
      %dma_wait3A_17 = arith.constant 0 : i32
      %dma_wait3A_18 = tpu.memref_slice %arg10[%mul3A_4, %dma_wait3A_17] : memref<10240x128xf32, #tpu.memory_space<vmem_shared>> -> memref<640x128xf32, #tpu.memory_space<vmem_shared>>
      tpu.wait_dma2 semaphore(%run_scoped3A : memref<!tpu.dma_semaphore, #tpu.memory_space<semaphore_mem>>) src(%dma_wait3A_18 : memref<640x128xf32, #tpu.memory_space<vmem_shared>>) dst(%dma_wait3A_16 : memref<640x128xf32, #tpu.memory_space<hbm>>)
      tpu.yield
    }) : () -> ()
    return
  }
}

module attributes {stable_mosaic.version = 14 : i64} {
  func.func @_mm_scale_kernel(%arg0: i32, %arg1: memref<1000x128xf32, #tpu.memory_space<vmem>>, %arg2: memref<128x128xf32, #tpu.memory_space<vmem>>, %arg3: memref<2x1000x128xf32, #tpu.memory_space<vmem>>, %arg4: memref<1000x128xf32, #tpu.memory_space<vmem>>) attributes {dimension_semantics = [#tpu.dimension_semantics<arbitrary>], iteration_bounds = array<i64: 10>, scalar_prefetch = 0 : i64, scratch_operands = 0 : i64, tpu.core_type = #tpu.core_type<tc>, window_params = [{transform_indices = @transform_0, window_bounds = array<i64: 1000, 128>}, {pipeline_mode = #tpu.pipeline_mode<synchronous>, transform_indices = @transform_1, window_bounds = array<i64: 128, 128>}, {transform_indices = @transform_2, window_bounds = array<i64: 2, 1000, 128>}, {transform_indices = @transform_3, window_bounds = array<i64: 1000, 128>}]} {
    %get3A = arith.constant 0 : index
    %get3A_0 = arith.constant 0 : index
    %get3A_1 = vector.load %arg1[%get3A, %get3A_0] : memref<1000x128xf32, #tpu.memory_space<vmem>>, vector<1000x128xf32>
    %get3A_2 = arith.constant 0 : index
    %get3A_3 = arith.constant 0 : index
    %get3A_4 = vector.load %arg2[%get3A_2, %get3A_3] : memref<128x128xf32, #tpu.memory_space<vmem>>, vector<128x128xf32>
    %dot_general3A = arith.constant dense<0.000000e+00> : vector<1000x128xf32>
    %dot_general3A_5 = tpu.matmul %get3A_1, %get3A_4, %dot_general3A {dimension_numbers = #tpu.dot_dimension_numbers<[1], [0], [0], [1], [0, 0, 1, 1], [], []>, transpose_lhs_hint = false} : vector<1000x128xf32>, vector<128x128xf32>, vector<1000x128xf32> -> vector<1000x128xf32>
    %get3A_6 = arith.constant 0 : index
    %get3A_7 = arith.constant 0 : index
    %get3A_8 = arith.constant 0 : index
    %get3A_9 = vector.load %arg3[%get3A_6, %get3A_7, %get3A_8] : memref<2x1000x128xf32, #tpu.memory_space<vmem>>, vector<1x1000x1xf32>
    %get3A_10 = vector.shape_cast %get3A_9 : vector<1x1000x1xf32> to vector<1000x1xf32>
    %get3A_11 = arith.constant 1 : index
    %get3A_12 = arith.constant 0 : index
    %get3A_13 = arith.constant 0 : index
    %get3A_14 = vector.load %arg3[%get3A_11, %get3A_12, %get3A_13] : memref<2x1000x128xf32, #tpu.memory_space<vmem>>, vector<1x1000x1xf32>
    %get3A_15 = vector.shape_cast %get3A_14 : vector<1x1000x1xf32> to vector<1000x1xf32>
    %add3A = arith.addf %get3A_10, %get3A_15 : vector<1000x1xf32>
    %add3A_16 = arith.constant 1.000000e+00 : f32
    %add3A_17 = vector.broadcast %add3A_16 : f32 to vector<1000x1xf32>
    %add3A_18 = arith.addf %add3A, %add3A_17 : vector<1000x1xf32>
    %rsqrt3A = math.rsqrt %add3A_18 : vector<1000x1xf32>
    %mul3A = vector.broadcast %rsqrt3A : vector<1000x1xf32> to vector<1000x128xf32>
    %mul3A_19 = arith.mulf %dot_general3A_5, %mul3A : vector<1000x128xf32>
    %swap3A = arith.constant 0 : index
    %swap3A_20 = arith.constant 0 : index
    %swap3A_21 = vector.load %arg4[%swap3A, %swap3A_20] : memref<1000x128xf32, #tpu.memory_space<vmem>>, vector<1000x128xf32>
    tpu.vector_store %arg4[%swap3A, %swap3A_20], %mul3A_19 {strides = array<i32>} : memref<1000x128xf32, #tpu.memory_space<vmem>>, vector<1000x128xf32>,
    return
  }
  func.func @transform_0(%arg0: i32) -> (i32, i32) {
    %c0_i32 = arith.constant 0 : i32
    %c0_i32_0 = arith.constant 0 : i32
    return %arg0, %c0_i32 : i32, i32
  }
  func.func @transform_1(%arg0: i32) -> (i32, i32) {
    %c0_i32 = arith.constant 0 : i32
    %c0_i32_0 = arith.constant 0 : i32
    %c0_i32_1 = arith.constant 0 : i32
    return %c0_i32, %c0_i32_0 : i32, i32
  }
  func.func @transform_2(%arg0: i32) -> (i32, i32, i32) {
    %c0_i32 = arith.constant 0 : i32
    %c0_i32_0 = arith.constant 0 : i32
    %c0_i32_1 = arith.constant 0 : i32
    return %c0_i32, %arg0, %c0_i32_0 : i32, i32, i32
  }
  func.func @transform_3(%arg0: i32) -> (i32, i32) {
    %c0_i32 = arith.constant 0 : i32
    %c0_i32_0 = arith.constant 0 : i32
    return %arg0, %c0_i32 : i32, i32
  }
}

module attributes {stable_mosaic.version = 14 : i64} {
  func.func @_combine_mm_kernel(%arg0: i32, %arg1: memref<2x1000x128xf32, #tpu.memory_space<vmem>>, %arg2: memref<1000x128xf32, #tpu.memory_space<vmem>>, %arg3: memref<1x128xf32, #tpu.memory_space<vmem>>, %arg4: memref<128x128xf32, #tpu.memory_space<vmem>>, %arg5: memref<2x1000x128xf32, #tpu.memory_space<vmem>>, %arg6: memref<1000x128xf32, #tpu.memory_space<vmem>>) attributes {dimension_semantics = [#tpu.dimension_semantics<arbitrary>], iteration_bounds = array<i64: 10>, scalar_prefetch = 0 : i64, scratch_operands = 0 : i64, tpu.core_type = #tpu.core_type<tc>, window_params = [{transform_indices = @transform_0, window_bounds = array<i64: 2, 1000, 128>}, {transform_indices = @transform_1, window_bounds = array<i64: 1000, 128>}, {pipeline_mode = #tpu.pipeline_mode<synchronous>, transform_indices = @transform_2, window_bounds = array<i64: 1, 128>}, {pipeline_mode = #tpu.pipeline_mode<synchronous>, transform_indices = @transform_3, window_bounds = array<i64: 128, 128>}, {transform_indices = @transform_4, window_bounds = array<i64: 2, 1000, 128>}, {transform_indices = @transform_5, window_bounds = array<i64: 1000, 128>}]} {
    %get3A = arith.constant 0 : index
    %get3A_0 = arith.constant 0 : index
    %get3A_1 = arith.constant 0 : index
    %get3A_2 = vector.load %arg5[%get3A, %get3A_0, %get3A_1] : memref<2x1000x128xf32, #tpu.memory_space<vmem>>, vector<1x1000x1xf32>
    %get3A_3 = vector.shape_cast %get3A_2 : vector<1x1000x1xf32> to vector<1000x1xf32>
    %get3A_4 = arith.constant 1 : index
    %get3A_5 = arith.constant 0 : index
    %get3A_6 = arith.constant 0 : index
    %get3A_7 = vector.load %arg5[%get3A_4, %get3A_5, %get3A_6] : memref<2x1000x128xf32, #tpu.memory_space<vmem>>, vector<1x1000x1xf32>
    %get3A_8 = vector.shape_cast %get3A_7 : vector<1x1000x1xf32> to vector<1000x1xf32>
    %add3A = arith.addf %get3A_3, %get3A_8 : vector<1000x1xf32>
    %add3A_9 = arith.constant 1.000000e+00 : f32
    %add3A_10 = vector.broadcast %add3A_9 : f32 to vector<1000x1xf32>
    %add3A_11 = arith.addf %add3A, %add3A_10 : vector<1000x1xf32>
    %rsqrt3A = math.rsqrt %add3A_11 : vector<1000x1xf32>
    %get3A_12 = arith.constant 0 : index
    %get3A_13 = arith.constant 0 : index
    %get3A_14 = arith.constant 0 : index
    %get3A_15 = vector.load %arg1[%get3A_12, %get3A_13, %get3A_14] : memref<2x1000x128xf32, #tpu.memory_space<vmem>>, vector<1x1000x128xf32>
    %get3A_16 = vector.shape_cast %get3A_15 : vector<1x1000x128xf32> to vector<1000x128xf32>
    %get3A_17 = arith.constant 1 : index
    %get3A_18 = arith.constant 0 : index
    %get3A_19 = arith.constant 0 : index
    %get3A_20 = vector.load %arg1[%get3A_17, %get3A_18, %get3A_19] : memref<2x1000x128xf32, #tpu.memory_space<vmem>>, vector<1x1000x128xf32>
    %get3A_21 = vector.shape_cast %get3A_20 : vector<1x1000x128xf32> to vector<1000x128xf32>
    %add3A_22 = arith.addf %get3A_16, %get3A_21 : vector<1000x128xf32>
    %get3A_23 = arith.constant 0 : index
    %get3A_24 = arith.constant 0 : index
    %get3A_25 = vector.load %arg2[%get3A_23, %get3A_24] : memref<1000x128xf32, #tpu.memory_space<vmem>>, vector<1000x128xf32>
    %add3A_26 = arith.addf %add3A_22, %get3A_25 : vector<1000x128xf32>
    %mul3A = vector.broadcast %rsqrt3A : vector<1000x1xf32> to vector<1000x128xf32>
    %mul3A_27 = arith.mulf %mul3A, %add3A_26 : vector<1000x128xf32>
    %get3A_28 = arith.constant 0 : index
    %get3A_29 = arith.constant 0 : index
    %get3A_30 = vector.load %arg3[%get3A_28, %get3A_29] : memref<1x128xf32, #tpu.memory_space<vmem>>, vector<1x128xf32>
    %add3A_31 = vector.broadcast %get3A_30 : vector<1x128xf32> to vector<1000x128xf32>
    %add3A_32 = arith.addf %mul3A_27, %add3A_31 : vector<1000x128xf32>
    %max3A = arith.constant 0.000000e+00 : f32
    %max3A_33 = vector.broadcast %max3A : f32 to vector<1000x128xf32>
    %max3A_34 = arith.maximumf %add3A_32, %max3A_33 : vector<1000x128xf32>
    %get3A_35 = arith.constant 0 : index
    %get3A_36 = arith.constant 0 : index
    %get3A_37 = vector.load %arg4[%get3A_35, %get3A_36] : memref<128x128xf32, #tpu.memory_space<vmem>>, vector<128x128xf32>
    %dot_general3A = arith.constant dense<0.000000e+00> : vector<1000x128xf32>
    %dot_general3A_38 = tpu.matmul %max3A_34, %get3A_37, %dot_general3A {dimension_numbers = #tpu.dot_dimension_numbers<[1], [0], [0], [1], [0, 0, 1, 1], [], []>, transpose_lhs_hint = false} : vector<1000x128xf32>, vector<128x128xf32>, vector<1000x128xf32> -> vector<1000x128xf32>
    %mul3A_39 = vector.broadcast %rsqrt3A : vector<1000x1xf32> to vector<1000x128xf32>
    %mul3A_40 = arith.mulf %dot_general3A_38, %mul3A_39 : vector<1000x128xf32>
    %swap3A = arith.constant 0 : index
    %swap3A_41 = arith.constant 0 : index
    %swap3A_42 = vector.load %arg6[%swap3A, %swap3A_41] : memref<1000x128xf32, #tpu.memory_space<vmem>>, vector<1000x128xf32>
    tpu.vector_store %arg6[%swap3A, %swap3A_41], %mul3A_40 {strides = array<i32>} : memref<1000x128xf32, #tpu.memory_space<vmem>>, vector<1000x128xf32>,
    return
  }
  func.func @transform_0(%arg0: i32) -> (i32, i32, i32) {
    %c0_i32 = arith.constant 0 : i32
    %c0_i32_0 = arith.constant 0 : i32
    %c0_i32_1 = arith.constant 0 : i32
    return %c0_i32, %arg0, %c0_i32_0 : i32, i32, i32
  }
  func.func @transform_1(%arg0: i32) -> (i32, i32) {
    %c0_i32 = arith.constant 0 : i32
    %c0_i32_0 = arith.constant 0 : i32
    return %arg0, %c0_i32 : i32, i32
  }
  func.func @transform_2(%arg0: i32) -> (i32, i32) {
    %c0_i32 = arith.constant 0 : i32
    %c0_i32_0 = arith.constant 0 : i32
    %c0_i32_1 = arith.constant 0 : i32
    return %c0_i32, %c0_i32_0 : i32, i32
  }
  func.func @transform_3(%arg0: i32) -> (i32, i32) {
    %c0_i32 = arith.constant 0 : i32
    %c0_i32_0 = arith.constant 0 : i32
    %c0_i32_1 = arith.constant 0 : i32
    return %c0_i32, %c0_i32_0 : i32, i32
  }
  func.func @transform_4(%arg0: i32) -> (i32, i32, i32) {
    %c0_i32 = arith.constant 0 : i32
    %c0_i32_0 = arith.constant 0 : i32
    %c0_i32_1 = arith.constant 0 : i32
    return %c0_i32, %arg0, %c0_i32_0 : i32, i32, i32
  }
  func.func @transform_5(%arg0: i32) -> (i32, i32) {
    %c0_i32 = arith.constant 0 : i32
    %c0_i32_0 = arith.constant 0 : i32
    return %arg0, %c0_i32 : i32, i32
  }
}

module attributes {stable_mosaic.version = 14 : i64} {
  func.func @_final_kernel(%arg0: i32, %arg1: memref<2x1000x128xf32, #tpu.memory_space<vmem>>, %arg2: memref<1000x128xf32, #tpu.memory_space<vmem>>, %arg3: memref<1x128xf32, #tpu.memory_space<vmem>>, %arg4: memref<2x1000x128xf32, #tpu.memory_space<vmem>>, %arg5: memref<1000x128xf32, #tpu.memory_space<vmem>>) attributes {dimension_semantics = [#tpu.dimension_semantics<arbitrary>], iteration_bounds = array<i64: 10>, scalar_prefetch = 0 : i64, scratch_operands = 0 : i64, tpu.core_type = #tpu.core_type<tc>, window_params = [{transform_indices = @transform_0, window_bounds = array<i64: 2, 1000, 128>}, {transform_indices = @transform_1, window_bounds = array<i64: 1000, 128>}, {pipeline_mode = #tpu.pipeline_mode<synchronous>, transform_indices = @transform_2, window_bounds = array<i64: 1, 128>}, {transform_indices = @transform_3, window_bounds = array<i64: 2, 1000, 128>}, {transform_indices = @transform_4, window_bounds = array<i64: 1000, 128>}]} {
    %get3A = arith.constant 0 : index
    %get3A_0 = arith.constant 0 : index
    %get3A_1 = arith.constant 0 : index
    %get3A_2 = vector.load %arg4[%get3A, %get3A_0, %get3A_1] : memref<2x1000x128xf32, #tpu.memory_space<vmem>>, vector<1x1000x1xf32>
    %get3A_3 = vector.shape_cast %get3A_2 : vector<1x1000x1xf32> to vector<1000x1xf32>
    %get3A_4 = arith.constant 1 : index
    %get3A_5 = arith.constant 0 : index
    %get3A_6 = arith.constant 0 : index
    %get3A_7 = vector.load %arg4[%get3A_4, %get3A_5, %get3A_6] : memref<2x1000x128xf32, #tpu.memory_space<vmem>>, vector<1x1000x1xf32>
    %get3A_8 = vector.shape_cast %get3A_7 : vector<1x1000x1xf32> to vector<1000x1xf32>
    %add3A = arith.addf %get3A_3, %get3A_8 : vector<1000x1xf32>
    %add3A_9 = arith.constant 1.000000e+00 : f32
    %add3A_10 = vector.broadcast %add3A_9 : f32 to vector<1000x1xf32>
    %add3A_11 = arith.addf %add3A, %add3A_10 : vector<1000x1xf32>
    %rsqrt3A = math.rsqrt %add3A_11 : vector<1000x1xf32>
    %get3A_12 = arith.constant 0 : index
    %get3A_13 = arith.constant 0 : index
    %get3A_14 = arith.constant 0 : index
    %get3A_15 = vector.load %arg1[%get3A_12, %get3A_13, %get3A_14] : memref<2x1000x128xf32, #tpu.memory_space<vmem>>, vector<1x1000x128xf32>
    %get3A_16 = vector.shape_cast %get3A_15 : vector<1x1000x128xf32> to vector<1000x128xf32>
    %get3A_17 = arith.constant 1 : index
    %get3A_18 = arith.constant 0 : index
    %get3A_19 = arith.constant 0 : index
    %get3A_20 = vector.load %arg1[%get3A_17, %get3A_18, %get3A_19] : memref<2x1000x128xf32, #tpu.memory_space<vmem>>, vector<1x1000x128xf32>
    %get3A_21 = vector.shape_cast %get3A_20 : vector<1x1000x128xf32> to vector<1000x128xf32>
    %add3A_22 = arith.addf %get3A_16, %get3A_21 : vector<1000x128xf32>
    %get3A_23 = arith.constant 0 : index
    %get3A_24 = arith.constant 0 : index
    %get3A_25 = vector.load %arg2[%get3A_23, %get3A_24] : memref<1000x128xf32, #tpu.memory_space<vmem>>, vector<1000x128xf32>
    %add3A_26 = arith.addf %add3A_22, %get3A_25 : vector<1000x128xf32>
    %mul3A = vector.broadcast %rsqrt3A : vector<1000x1xf32> to vector<1000x128xf32>
    %mul3A_27 = arith.mulf %mul3A, %add3A_26 : vector<1000x128xf32>
    %get3A_28 = arith.constant 0 : index
    %get3A_29 = arith.constant 0 : index
    %get3A_30 = vector.load %arg3[%get3A_28, %get3A_29] : memref<1x128xf32, #tpu.memory_space<vmem>>, vector<1x128xf32>
    %add3A_31 = vector.broadcast %get3A_30 : vector<1x128xf32> to vector<1000x128xf32>
    %add3A_32 = arith.addf %mul3A_27, %add3A_31 : vector<1000x128xf32>
    %swap3A = arith.constant 0 : index
    %swap3A_33 = arith.constant 0 : index
    %swap3A_34 = vector.load %arg5[%swap3A, %swap3A_33] : memref<1000x128xf32, #tpu.memory_space<vmem>>, vector<1000x128xf32>
    tpu.vector_store %arg5[%swap3A, %swap3A_33], %add3A_32 {strides = array<i32>} : memref<1000x128xf32, #tpu.memory_space<vmem>>, vector<1000x128xf32>,
    return
  }
  func.func @transform_0(%arg0: i32) -> (i32, i32, i32) {
    %c0_i32 = arith.constant 0 : i32
    %c0_i32_0 = arith.constant 0 : i32
    %c0_i32_1 = arith.constant 0 : i32
    return %c0_i32, %arg0, %c0_i32_0 : i32, i32, i32
  }
  func.func @transform_1(%arg0: i32) -> (i32, i32) {
    %c0_i32 = arith.constant 0 : i32
    %c0_i32_0 = arith.constant 0 : i32
    return %arg0, %c0_i32 : i32, i32
  }
  func.func @transform_2(%arg0: i32) -> (i32, i32) {
    %c0_i32 = arith.constant 0 : i32
    %c0_i32_0 = arith.constant 0 : i32
    %c0_i32_1 = arith.constant 0 : i32
    return %c0_i32, %c0_i32_0 : i32, i32
  }
  func.func @transform_3(%arg0: i32) -> (i32, i32, i32) {
    %c0_i32 = arith.constant 0 : i32
    %c0_i32_0 = arith.constant 0 : i32
    %c0_i32_1 = arith.constant 0 : i32
    return %c0_i32, %arg0, %c0_i32_0 : i32, i32, i32
  }
  func.func @transform_4(%arg0: i32) -> (i32, i32) {
    %c0_i32 = arith.constant 0 : i32
    %c0_i32_0 = arith.constant 0 : i32
    return %arg0, %c0_i32 : i32, i32
  }
}

</mosaic_0001>

<sc_bundles>
// kernel: _run.11.cloned.1.call-start
scs
__scs_entry_jumppad:
0x0: {  	(pc) =	sbr.rel $0x88, $3  }
0x1: {  	(tag) =	ssettag $0x0;
	lr =	simm.s32 $0x1  }
0x2: {  	[smem:$0x3F99] =	sst lr;
	_ =	strace $0xD0000000  }
0x3: {  	_ = 	snop  }
0x4: {  	_ = 	snop  }
0x5: {  	_ = 	snop  }
0x6: {  	_ = 	snop  }
0x7: {  	_ = 	snop  }
__scs_overlays_trampoline_lowered:
0x8: {  	[smem:$0x3FA8] =	sst s0  }
0x9: {  	[smem:$0x3FA9] =	sst s1  }
0xa: {  	[smem:$0x3FAA] =	sst s2  }
0xb: {  	[smem:$0x3FAB] =	sst s3  }
0xc: {  	[smem:$0x3FAC] =	sst s4  }
0xd: {  	[smem:$0x3FAD] =	sst s5  }
0xe: {  	[smem:$0x3FAE] =	sst s6  }
0xf: {  	[smem:$0x3FAF] =	sst s7  }
0x10: {  	[smem:$0x3FB0] =	sst s8  }
0x11: {  	[smem:$0x3FB1] =	sst s9;
	s0 =	simm.s32 @!p0 $0x0  }
0x12: {  	s1 =	sld [smem:$0x3F97];
	s0 =	simm.s32 @p0 $0x1  }
0x13: {  	[smem:$0x3FB2] =	sst s0;
	s0 =	simm.s32 @!p1 $0x0  }
0x14: {  	s2 =	sld [smem:$0x3F96];
	s0 =	simm.s32 @p1 $0x1  }
0x15: {  	[smem:$0x3FB3] =	sst s0;
	s0 =	simm.s32 @!p2 $0x0  }
0x16: {  	s3 =	sld [smem:$0x3FDB];
	s0 =	simm.s32 @p2 $0x1  }
0x17: {  	s4 =	simm.s32 $0x1BF5;
	[smem:$0x3FB5] =	sst s0  }
0x18: {  	s0 =	sld [smem:$0x3F98];
	_ =	swait.ge [sflag:s4], $0x0  }
0x19: {  	s7 =	sld [smem:$0x3F99]  }
0x1a: {  	s8 =	sadd.s32 $0xFFFFE003, lr  }
0x1b: {  	s9 =	sadd.s32 $0xFFFFFEF7, lr;
	s5 =	simm.s32 $0xFFFFFFFF;
	p2 =	slt.u32 s8, $0xFFFFF086  }
0x1c: {  	p1 =	slt.u32 s9, $0xF7A;
	s5 =	simm.s32 @!p2 $0x0  }
0x1d: {  	s5 =	simm.s32 @p1 $0x1;
	p0 =	seq.s32 s7, s2  }
0x1e: {  	s7 =	smul.u32 @!p0 $0xF7A, s2;
	p2 =	seq.s32 @!p0 s5, $0x0  }
0x1f: {  	s9 =	smul.u32 $0xF7A, s1;
	s8 =	simm.s32 @!p0 $0x1BF5;
	p2 =	por !p2, p0  }
0x20: {  	[sflag:s8] =	ssyncset.s32 @!p0 $0xFFFFF086;
	s6 =	sadd.s32 @!p0 s3, s7;
	s7 =	simm.s32 @!p0 $0x108  }
0x21: {  	s3 =	sadd.s32 s3, s9;
	s6 =	sadd.s32 @!p0 $0x88, s6;
	s7 =	simm.s32 @p2 $0x1082  }
0x22: {  	[simem:s7], [sflag:s8] =	dma.local @!p0 [hbm:s6], $0xF7A  }
0x23: {  	s9 =	sor.u32 $0xD0000000, s2;
	s6 =	simm.s32 $0x108;
	_ =	swait.ge @!p0 [sflag:s8], $0x0  }
0x24: {  	s3 =	sadd.s32 $0x88, s3;
	s6 =	simm.s32 @!p1 $0x1082;
	[sflag:s4] =	ssyncset.s32 $0xFFFFF086  }
0x25: {  	[simem:s6], [sflag:s4] =	dma.local [hbm:s3], $0xF7A  }
0x26: {  	[smem:$0x3F99] =	sst s1;
	(tag) =	ssettag s2;
	_ =	strace s9  }
0x27: {  	s1 =	sld [smem:$0x3FA9]  }
0x28: {  	s2 =	sld [smem:$0x3FAA]  }
0x29: {  	s4 =	sld [smem:$0x3FAC]  }
0x2a: {  	p0 =	seq.s32 s5, $0x0;
	s5 =	sld [smem:$0x3FAD]  }
0x2b: {  	s6 =	sld [smem:$0x3FAE]  }
0x2c: {  	s7 =	sld [smem:$0x3FAF]  }
0x2d: {  	s3 =	simm.s32 $0x108;
	s8 =	sld [smem:$0x3FB0]  }
0x2e: {  	s3 =	simm.s32 @!p0 $0x1082;
	s9 =	sld [smem:$0x3FB1]  }
0x2f: {  	lr =	sadd.s32 s0, s3;
	s0 =	sld [smem:$0x3FA8]  }
0x30: {  	s3 =	sld [smem:$0x3FAB]  }
0x31: {  	[smem:$0x3FB4] =	sst s10  }
0x32: {  	s10 =	sld [smem:$0x3FB2];
	_ =	sdelay $0x3  }
0x33: {  	p0 =	seq.s32 s10, $0x1;
	s10 =	sld [smem:$0x3FB4];
	_ =	sdelay $0x3  }
0x34: {  	[smem:$0x3FB4] =	sst s10  }
0x35: {  	s10 =	sld [smem:$0x3FB3];
	_ =	sdelay $0x3  }
0x36: {  	p1 =	seq.s32 s10, $0x1;
	s10 =	sld [smem:$0x3FB4];
	_ =	sdelay $0x3  }
0x37: {  	[smem:$0x3FB4] =	sst s10  }
0x38: {  	s10 =	sld [smem:$0x3FB5]  }
0x39: {  	_ = 	snop;
	(pc) =	sbr.ind lr, $3  }
0x3a: {  	_ = 	snop  }
0x3b: {  	_ = 	snop  }
0x3c: {  	p2 =	seq.s32 s10, $0x1;
	s10 =	sld [smem:$0x3FB4]  }
0x3d: {  	_ =	shalt  }
0x3e: {  	_ =	shalt  }
0x3f: {  	_ =	shalt  }
0x40: {  	_ =	shalt  }
0x41: {  	_ =	shalt  }
0x42: {  	_ =	shalt  }
0x43: {  	_ =	shalt  }
0x44: {  	_ =	shalt  }
0x45: {  	_ =	shalt  }
0x46: {  	_ =	shalt  }
0x47: {  	_ =	shalt  }
0x48: {  	_ =	shalt  }
0x49: {  	_ =	shalt  }
0x4a: {  	_ =	shalt  }
0x4b: {  	_ =	shalt  }
0x4c: {  	_ =	shalt  }
0x4d: {  	_ =	shalt  }
0x4e: {  	_ =	shalt  }
0x4f: {  	_ =	shalt  }
0x50: {  	_ =	shalt  }
0x51: {  	_ =	shalt  }
0x52: {  	_ =	shalt  }
0x53: {  	_ =	shalt  }
0x54: {  	_ =	shalt  }
0x55: {  	_ =	shalt  }
0x56: {  	_ =	shalt  }
0x57: {  	_ =	shalt  }
0x58: {  	_ =	shalt  }
0x59: {  	_ =	shalt  }
0x5a: {  	_ =	shalt  }
0x5b: {  	_ =	shalt  }
0x5c: {  	_ =	shalt  }
0x5d: {  	_ =	shalt  }
0x5e: {  	_ =	shalt  }
0x5f: {  	_ =	shalt  }
0x60: {  	_ =	shalt  }
0x61: {  	_ =	shalt  }
0x62: {  	_ =	shalt  }
0x63: {  	_ =	shalt  }
0x64: {  	_ =	shalt  }
0x65: {  	_ =	shalt  }
0x66: {  	_ =	shalt  }
0x67: {  	_ =	shalt  }
0x68: {  	_ =	shalt  }
0x69: {  	_ =	shalt  }
0x6a: {  	_ =	shalt  }
0x6b: {  	_ =	shalt  }
0x6c: {  	_ =	shalt  }
0x6d: {  	_ =	shalt  }
0x6e: {  	_ =	shalt  }
0x6f: {  	_ =	shalt  }
0x70: {  	_ =	shalt  }
0x71: {  	_ =	shalt  }
0x72: {  	_ =	shalt  }
0x73: {  	_ =	shalt  }
0x74: {  	_ =	shalt  }
0x75: {  	_ =	shalt  }
0x76: {  	_ =	shalt  }
0x77: {  	_ =	shalt  }
0x78: {  	_ =	shalt  }
0x79: {  	_ =	shalt  }
0x7a: {  	_ =	shalt  }
0x7b: {  	_ =	shalt  }
0x7c: {  	_ =	shalt  }
0x7d: {  	_ =	shalt  }
0x7e: {  	_ =	shalt  }
0x7f: {  	_ =	shalt  }
0x80: {  	_ =	shalt  }
0x81: {  	_ =	shalt  }
0x82: {  	_ =	shalt  }
0x83: {  	_ =	shalt  }
0x84: {  	_ =	shalt  }
0x85: {  	_ =	shalt  }
0x86: {  	_ =	shalt  }
0x87: {  	_ =	shalt  }
.Lfunc_end0:
.L_simem_size_0:
called_computation.1_lowered:
.L_overlay_start_0:
0x88: {  	s2 =	sld [smem:$0x3FD9]  }
0x89: {  	s3 =	sld [smem:$0x3FFE];
	_ =	sdelay $0x1  }
0x8a: {  	s1 =	srdreg.scid  }
0x8b: {  	s0 =	sand.u32 $0x1, s1  }
0x8c: {  	s17 =	sshll.u32 s0, $0xA;
	s2 =	sadd.s32 s3, s2  }
0x8d: {  	s2 =	sadd.s32 s2, s17  }
0x8e: {  	[smem:$0x3FC0] =	sst s2  }
0x8f: {  	_ = 	snop  }
0x90: {  	s2 =	sld [smem:$0x3FC8]  }
0x91: {  	s18 =	sld [smem:$0x3FC7]  }
0x92: {  	s4 =	sld [smem:$0x3FD0];
	(tm) =	ssettm $0x1  }
0x93: {  	s5 =	sld [smem:$0x3FFB];
	_ =	sdelay $0x3  }
0x94: {  	_ =	strace s5  }
0x95: {  	s5 =	sld [smem:$0x3FFC];
	_ =	sdelay $0x3  }
0x96: {  	_ =	strace s5  }
0x97: {  	s5 =	sld [smem:$0x3FFD];
	_ =	sdelay $0x3  }
0x98: {  	_ =	strace s5  }
0x99: {  	_ =	strace $0x8FFFFFFF  }
0x9a: {  	s19 =	sld [smem:$0x3FDB];
	_ =	sdelay $0x1  }
0x9b: {  	s6 =	simm.s32 $_scs_section_size  }
0x9c: {  	s7 =	simm.s32 $_size__tile_overlayer_lowered;
	s8 =	simm.s32 $_tile_overlayer_lowered  }
0x9d: {  	s22 =	simm.s32 $0x1BFF;
	s21 =	sshll.u32 s8, $0x1;
	s5 =	sadd.s32 s6, s19  }
0x9e: {  	s9 =	simm.s32 $0x0;
	s20 =	sshll.u32 s7, $0x1;
	s7 =	sadd.s32 s21, s5  }
0x9f: {  	[timem:s9], [sflag:s22] =	dma.local [hbm:s7], s20  }
0xa0: {  	_ =	swait.ge [sflag:s22], s20  }
0xa1: {  	s6 =	ssub.s32 $0x0, s20;
	[sflag:s22] =	ssyncset.done $0x0  }
0xa2: {  	[sflag:s22] =	ssyncadd.s32 s6;
	_ =	sdelay $0x1  }
0xa3: {  	s23 =	simm.s32 $0x1B8B  }
0xa4: {  	_ =	swait.ge [sflag:s23], $0x1  }
0xa5: {  	[sflag:s23] =	ssyncset.done $0x0  }
0xa6: {  	s25 =	simm.s32 $0x1B8E;
	s24 =	sld [smem:$0x3FFE];
	[sflag:s23] =	ssyncadd.s32 $0xFFFFFFFF  }
0xa7: {  	s26 =	simm.s32 $execute0_lowered;
	[smem:$0x3FD2] =	sst s25  }
0xa8: {  	s7 =	sshll.u32 s26, $0x1;
	_ =	strace $0x80000049;
	[dreg:$0x1] =	wrdreg $0xFFFFFFFF  }
0xa9: {  	s28 =	simm.s32 $_size_execute0_lowered;
	s5 =	sadd.s32 s5, s7;
	[dreg:$0x0] =	wrdreg $0x0  }
0xaa: {  	s7 =	sshll.u32 s28, $0x1;
	[dreg:$0x2] =	wrdreg s5  }
0xab: {  	[dreg:$0x3] =	wrdreg s7  }
0xac: {  	[dreg:$0x4] =	wrdreg $0xC0  }
0xad: {  	_ =	task [dreg:s9], $0x5FFFF  }
0xae: {  	[dreg:$0x1] =	wrdreg $0xFFFFFFFF  }
0xaf: {  	[dreg:$0x0] =	wrdreg $0x60  }
0xb0: {  	[dreg:$0x2] =	wrdreg s4  }
0xb1: {  	[dreg:$0x3] =	wrdreg s2  }
0xb2: {  	[dreg:$0x4] =	wrdreg s18  }
0xb3: {  	[dreg:$0x5] =	wrdreg s24  }
0xb4: {  	[dreg:$0x6] =	wrdreg $0x50000  }
0xb5: {  	[dreg:$0x7] =	wrdreg $0x9  }
0xb6: {  	_ =	task.clear_ibuf [dreg:s9], $0x8FFFF;
	_ =	strace $0x90000049  }
0xb7: {  	s29 =	simm.s32 $0x9;
	_ =	strace $0x8000004B  }
0xb8: {  	_ =	swait.ge [sflag:s29], $0x1  }
0xb9: {  	[sflag:s29] =	ssyncadd.s32 $0xFFFFFFFF  }
0xba: {  	_ =	strace $0x9000004B  }
0xbb: {  	_ =	sfence  }
0xbc: {  	s30 =	sld [smem:$0x0];
	_ =	sdelay $0x2  }
0xbd: {  	s31 =	sshll.u32 s1, $0xD;
	s1 =	sshrl.u32 s1, $0x2  }
0xbe: {  	s3 =	sand.u32 $0x4000, s31;
	s1 =	sadd.s32 s1, s30  }
0xbf: {  	s0 =	sor.u32 s3, s0;
	s1 =	sshll.u32 s1, $0x11  }
0xc0: {  	s0 =	sor.u32 s1, s0  }
0xc1: {  	s0 =	sadd.s32 $0x8F2B, s0  }
0xc2: {  	[sflag:s0] =	ssyncadd.remote.s32 $0x1  }
0xc3: {  	_ =	sfence.sel $0xFFFF  }
0xc4: {  	[dreg:$0x0] =	wrdreg $0xFFFFFFFF;
	(pc) =	sbr.abs _section_cstart, $3  }
0xc5: {  	[dreg:$0x1] =	wrdreg $0xFFFFFFFF  }
0xc6: {  	_ =	task.clear_ibuf [dreg:s9], $0x2FFFF;
	_ =	strace $0x9FFFFFFF  }
0xc7: {  	(tm) =	ssettm $0x7FFFFFFF  }
tec
execute0_lowered:
.L_overlay_start_1:
0x0: {  	(tag) =	ssettag $0x1  }
0x1: {  	s1 =	rddreg [dreg:$0x0]  }
0x2: {  	s7 =	rddreg [dreg:$0x1]  }
0x3: {  	s10 =	rddreg [dreg:$0x2]  }
0x4: {  	s5 =	rddreg [dreg:$0x3]  }
0x5: {  	s3 =	rddreg [dreg:$0x4]  }
0x6: {  	s0 =	rddreg [dreg:$0x5]  }
0x7: {  	s2 =	stileid.u32;
	s6 =	srdreg.scid  }
0x8: {  	s4 =	simm.s32 $0x0;
	s16 =	simm.s32 $0x1;
	s8 =	smul.u32 $0x14000, s2  }
0x9: {  	s17 =	simm.s32 $0x0;
	s6 =	sand.u32 $0x1, s6;
	s13 =	smul.u32 $0x50000, s2  }
0xa: {  	[smem:$0x7FF] =	sst s4;
	s29 =	smul.u32 $0x2710, s2;
	s30 =	sshll.u32 s2, $0x6  }
0xb: {  	s9 =	smul.u32 $0x140000, s6;
	s11 =	sshll.u32 s6, $0x4;
	_ =	strace $0x8000004A  }
0xc: {  	s25 =	ssub.s32 $0x2, s6;
	s14 =	smul.u32 $0x27100, s6;
	s6 =	sor.u32 $0x1C02, s30  }
0xd: {  	s12 =	sshrl.u32 s8, $0x3;
	s11 =	sor.u32 s2, s11;
	s26 =	sshrl.u32 s25, $0x1  }
0xe: {  	s28 =	sshrl.u32 s13, $0x2;
	s13 =	simm.s32 $0x2780;
	s12 =	sadd.s32 s12, s5  }
0xf: {  	s8 =	sadd.s32 s8, s9;
	s24 =	smul.u32 $0x2710, s11;
	s11 =	ssub.s32 s25, s26  }
0x10: {  	s15 =	sadd.s32 s28, s3;
	s31 =	sadd.s32 s29, s14;
	s8 =	sshrl.u32 s8, $0x3  }
0x11: {  	s14 =	simm.s32 $0x50;
	s8 =	sadd.s32 s8, s5;
	s9 =	sshrl.u32 s24, $0x3  }
0x12: {  	s5 =	sadd.s32 $0x2A00, s12;
	s12 =	sshrl.u32 s31, $0x3;
	s7 =	sadd.s32 s7, s9  }
0x13: {  	s8 =	sadd.s32 $0x7AA00, s8;
	s9 =	smax.u32 s11, $0x1;
	s10 =	sadd.s32 s12, s10  }
0x14: {  	s11 =	sshrl.u32 s15, $0x3;
	s12 =	simm.s32 $0x2;
	s15 =	simm.s32 $0x2800  }
.LBB2_1:
0x15: {  	[spmem:s11], [sflag:s6] =	dma.local [hbm:s5], $0x2800  }
0x16: {  	_ =	swait.ge [sflag:s12], $0x2800  }
0x17: {  	[sflag:s12] =	ssyncset.done $0x0  }
0x18: {  	[sflag:s12] =	ssyncadd.s32 $0xFFFFD800  }
0x19: {  	[tilespmem:s4], [sflag:$0x2] =	stream.linear.gather [hbm4b:s7+s4], $0x2710, $0x38;
	[tilespmem:$0x19000] =	vst v63  }
0x1a: {  	_ =	swait.ge [sflag:s12], $0x2710  }
0x1b: {  	[sflag:s12] =	ssyncset.done $0x0  }
0x1c: {  	[sflag:s12] =	ssyncadd.s32 $0xFFFFD8F0  }
0x1d: {  	s18 =	sadd.s32 $0x0, s10;
	[bflag:$0x0] =	sbarrier.arrive $0xFFFF  }
0x1e: {  	[tilespmem:s13], [sflag:$0x2] =	stream.linear.gather [hbm4b:s18+s4], $0x50, $0x38;
	[tilespmem:$0x19000] =	vst v63  }
0x1f: {  	_ =	swait.ge [sflag:s12], $0x50  }
0x20: {  	[sflag:s12] =	ssyncset.done $0x0  }
0x21: {  	[sflag:s12] =	ssyncadd.s32 $0xFFFFFFB0  }
0x22: {  	[tilespmem:s15], [sflag:$0x1] =	stream.indirect.gather [hbm4b:s1+s14], $0x80, s4, s14, $0xb8;
	[tilespmem:$0x19000] =	vst v63  }
0x23: {  	_ =	swait.ge [sflag:s16], $0x2800  }
0x24: {  	[sflag:s16] =	ssyncset.done $0x0  }
0x25: {  	[sflag:s16] =	ssyncadd.s32 $0xFFFFD800  }
0x26: {  	[spmem:s3] =	stream.indirect.scatter.add.f32 [tilespmem:s15], [sflag:$0x2], $0x80, s13, s14, $0xb8;
	[tilespmem:$0x19000] =	vst v63  }
0x27: {  	s19 =	simm.s32 $0xA;
	_ =	swait.ge [sflag:s12], $0x2800  }
0x28: {  	s20 =	simm.s32 $0x14;
	s18 =	simm.s32 $0x50;
	[sflag:s12] =	ssyncset.done $0x0  }
.LBB2_2:
0x29: {  	s21 =	sadd.s32 s19, s10  }
0x2a: {  	[sflag:s12] =	ssyncadd.s32 $0xFFFFD800;
	s19 =	smov.u32 s20;
	s22 =	sadd.s32 $0xA, s20  }
0x2b: {  	[tilespmem:s13], [sflag:$0x2] =	stream.linear.gather [hbm4b:s21+s4], $0x50, $0x38;
	[tilespmem:$0x19000] =	vst v63  }
0x2c: {  	p0 =	sne.s32 s20, $0x4D8;
	_ =	swait.ge [sflag:s12], $0x50  }
0x2d: {  	[sflag:s12] =	ssyncset.done $0x0  }
0x2e: {  	[sflag:s12] =	ssyncadd.s32 $0xFFFFFFB0  }
0x2f: {  	[tilespmem:s15], [sflag:$0x1] =	stream.indirect.gather [hbm4b:s1+s14], $0x80, s18, s14, $0xb8;
	[tilespmem:$0x19000] =	vst v63  }
0x30: {  	_ =	swait.ge [sflag:s16], $0x2800  }
.Ltmp0:
0x31: {  	[sflag:s16] =	ssyncset.done $0x0;
	(pc) =	sbr.rel @p0 .LBB2_2-.Ltmp0, $4  }
0x32: {  	[sflag:s16] =	ssyncadd.s32 $0xFFFFD800  }
0x33: {  	[spmem:s3] =	stream.indirect.scatter.add.f32 [tilespmem:s15], [sflag:$0x2], $0x80, s13, s14, $0xb8;
	[tilespmem:$0x19000] =	vst v63  }
0x34: {  	_ =	swait.ge [sflag:s12], $0x2800  }
0x35: {  	s20 =	smov.u32 s22;
	s18 =	sadd.s32 $0x50, s18;
	[sflag:s12] =	ssyncset.done $0x0  }
0x36: {  	s19 =	sadd.s32 s19, s10;
	[sflag:s12] =	ssyncadd.s32 $0xFFFFD800  }
0x37: {  	[tilespmem:s13], [sflag:$0x2] =	stream.linear.gather [hbm4b:s19+s4], $0x50, $0x38;
	[tilespmem:$0x19000] =	vst v63  }
0x38: {  	_ =	swait.ge [sflag:s12], $0x50  }
0x39: {  	[sflag:s12] =	ssyncset.done $0x0  }
0x3a: {  	[sflag:s12] =	ssyncadd.s32 $0xFFFFFFB0  }
0x3b: {  	[tilespmem:s15], [sflag:$0x1] =	stream.indirect.gather [hbm4b:s1+s14], $0x80, s18, s14, $0xb8;
	[tilespmem:$0x19000] =	vst v63  }
0x3c: {  	_ =	swait.ge [sflag:s16], $0x2800  }
0x3d: {  	[sflag:s16] =	ssyncset.done $0x0  }
0x3e: {  	[sflag:s16] =	ssyncadd.s32 $0xFFFFD800  }
0x3f: {  	[spmem:s3] =	stream.indirect.scatter.add.f32 [tilespmem:s15], [sflag:$0x2], $0x80, s13, s14, $0xb8;
	[tilespmem:$0x19000] =	vst v63  }
0x40: {  	_ =	swait.ge [sflag:s12], $0x2800  }
0x41: {  	s17 =	sadd.s32 $0x1, s17;
	[sflag:s12] =	ssyncset.done $0x0  }
0x42: {  	p0 =	sne.s32 s17, s9;
	[sflag:s12] =	ssyncadd.s32 $0xFFFFD800  }
.Ltmp1:
0x43: {  	[bflag:$0x0] =	sbarrier.arrive $0xFFFF;
	(pc) =	sbr.rel @p0 .LBB2_1-.Ltmp1, $4  }
0x44: {  	[hbm:s8], [sflag:s6] =	dma.local [spmem:s11], $0x2800  }
0x45: {  	_ =	swait.ge [sflag:s12], $0x2800  }
0x46: {  	[sflag:s12] =	ssyncset.done $0x0  }
0x47: {  	[sflag:s12] =	ssyncadd.s32 $0xFFFFD800  }
0x48: {  	_ =	sfence.sel $0x180000  }
0x49: {  	[bflag:$0x0] =	sbarrier.arrive $0xFFFF  }
0x4a: {  	p0 =	sne.s32 s2, $0x0;
	_ =	strace $0x9000004A  }
0x4b: {  	s0 =	sadd.s32 @!p0 $0x100000, s0;
	[bflag:$0x2] =	sbarrier.arrive $0xFFFF  }
0x4c: {  	[sflag:s0] =	ssyncadd.tile.s32 @!p0 $0x1;
	_ =	shalt  }
.Lfunc_end2:
_tile_overlayer_lowered:
.L_overlay_start_2:
0x4d: {  	(tag) =	ssettag $0x2  }
0x4e: {  	s0 =	rddreg [dreg:$0x0];
	s2 =	stileid.u32  }
0x4f: {  	s1 =	rddreg [dreg:$0x1];
	p0 =	sne.s32 s2, $0x0  }
0x50: {  	s3 =	rddreg [dreg:$0x2];
	[bflag:$0x3] =	sbarrier.arrive $0xFFFF;
	s2 =	simm.s32 @!p0 $0x1C02  }
0x51: {  	[timem:s3], [sflag:s2] =	dma.local @!p0 [hbm:s0], s1  }
0x52: {  	s0 =	simm.s32 @!p0 $0x2  }
0x53: {  	_ =	swait.ge @!p0 [sflag:s0], s1  }
0x54: {  	s1 =	ssub.s32 @!p0 $0x0, s1;
	[sflag:s0] =	ssyncset.done @!p0 $0x0  }
0x55: {  	[sflag:s0] =	ssyncadd.s32 @!p0 s1  }
0x56: {  	[bflag:$0x3] =	sbarrier.arrive $0xFFFF  }
0x57: {  	_ =	shalt  }

// kernel: _run.14.cloned.1.call-start
scs
__scs_entry_jumppad:
0x0: {  	(pc) =	sbr.rel $0x88, $3  }
0x1: {  	(tag) =	ssettag $0x0;
	lr =	simm.s32 $0x1  }
0x2: {  	[smem:$0x3F99] =	sst lr;
	_ =	strace $0xD0000000  }
0x3: {  	_ = 	snop  }
0x4: {  	_ = 	snop  }
0x5: {  	_ = 	snop  }
0x6: {  	_ = 	snop  }
0x7: {  	_ = 	snop  }
__scs_overlays_trampoline_lowered:
0x8: {  	[smem:$0x3FA8] =	sst s0  }
0x9: {  	[smem:$0x3FA9] =	sst s1  }
0xa: {  	[smem:$0x3FAA] =	sst s2  }
0xb: {  	[smem:$0x3FAB] =	sst s3  }
0xc: {  	[smem:$0x3FAC] =	sst s4  }
0xd: {  	[smem:$0x3FAD] =	sst s5  }
0xe: {  	[smem:$0x3FAE] =	sst s6  }
0xf: {  	[smem:$0x3FAF] =	sst s7  }
0x10: {  	[smem:$0x3FB0] =	sst s8  }
0x11: {  	[smem:$0x3FB1] =	sst s9;
	s0 =	simm.s32 @!p0 $0x0  }
0x12: {  	s1 =	sld [smem:$0x3F97];
	s0 =	simm.s32 @p0 $0x1  }
0x13: {  	[smem:$0x3FB2] =	sst s0;
	s0 =	simm.s32 @!p1 $0x0  }
0x14: {  	s2 =	sld [smem:$0x3F96];
	s0 =	simm.s32 @p1 $0x1  }
0x15: {  	[smem:$0x3FB3] =	sst s0;
	s0 =	simm.s32 @!p2 $0x0  }
0x16: {  	s3 =	sld [smem:$0x3FDB];
	s0 =	simm.s32 @p2 $0x1  }
0x17: {  	s4 =	simm.s32 $0x1BF5;
	[smem:$0x3FB5] =	sst s0  }
0x18: {  	s0 =	sld [smem:$0x3F98];
	_ =	swait.ge [sflag:s4], $0x0  }
0x19: {  	s7 =	sld [smem:$0x3F99]  }
0x1a: {  	s8 =	sadd.s32 $0xFFFFE003, lr  }
0x1b: {  	s9 =	sadd.s32 $0xFFFFFEF7, lr;
	s5 =	simm.s32 $0xFFFFFFFF;
	p2 =	slt.u32 s8, $0xFFFFF086  }
0x1c: {  	p1 =	slt.u32 s9, $0xF7A;
	s5 =	simm.s32 @!p2 $0x0  }
0x1d: {  	s5 =	simm.s32 @p1 $0x1;
	p0 =	seq.s32 s7, s2  }
0x1e: {  	s7 =	smul.u32 @!p0 $0xF7A, s2;
	p2 =	seq.s32 @!p0 s5, $0x0  }
0x1f: {  	s9 =	smul.u32 $0xF7A, s1;
	s8 =	simm.s32 @!p0 $0x1BF5;
	p2 =	por !p2, p0  }
0x20: {  	[sflag:s8] =	ssyncset.s32 @!p0 $0xFFFFF086;
	s6 =	sadd.s32 @!p0 s3, s7;
	s7 =	simm.s32 @!p0 $0x108  }
0x21: {  	s3 =	sadd.s32 s3, s9;
	s6 =	sadd.s32 @!p0 $0x88, s6;
	s7 =	simm.s32 @p2 $0x1082  }
0x22: {  	[simem:s7], [sflag:s8] =	dma.local @!p0 [hbm:s6], $0xF7A  }
0x23: {  	s9 =	sor.u32 $0xD0000000, s2;
	s6 =	simm.s32 $0x108;
	_ =	swait.ge @!p0 [sflag:s8], $0x0  }
0x24: {  	s3 =	sadd.s32 $0x88, s3;
	s6 =	simm.s32 @!p1 $0x1082;
	[sflag:s4] =	ssyncset.s32 $0xFFFFF086  }
0x25: {  	[simem:s6], [sflag:s4] =	dma.local [hbm:s3], $0xF7A  }
0x26: {  	[smem:$0x3F99] =	sst s1;
	(tag) =	ssettag s2;
	_ =	strace s9  }
0x27: {  	s1 =	sld [smem:$0x3FA9]  }
0x28: {  	s2 =	sld [smem:$0x3FAA]  }
0x29: {  	s4 =	sld [smem:$0x3FAC]  }
0x2a: {  	p0 =	seq.s32 s5, $0x0;
	s5 =	sld [smem:$0x3FAD]  }
0x2b: {  	s6 =	sld [smem:$0x3FAE]  }
0x2c: {  	s7 =	sld [smem:$0x3FAF]  }
0x2d: {  	s3 =	simm.s32 $0x108;
	s8 =	sld [smem:$0x3FB0]  }
0x2e: {  	s3 =	simm.s32 @!p0 $0x1082;
	s9 =	sld [smem:$0x3FB1]  }
0x2f: {  	lr =	sadd.s32 s0, s3;
	s0 =	sld [smem:$0x3FA8]  }
0x30: {  	s3 =	sld [smem:$0x3FAB]  }
0x31: {  	[smem:$0x3FB4] =	sst s10  }
0x32: {  	s10 =	sld [smem:$0x3FB2];
	_ =	sdelay $0x3  }
0x33: {  	p0 =	seq.s32 s10, $0x1;
	s10 =	sld [smem:$0x3FB4];
	_ =	sdelay $0x3  }
0x34: {  	[smem:$0x3FB4] =	sst s10  }
0x35: {  	s10 =	sld [smem:$0x3FB3];
	_ =	sdelay $0x3  }
0x36: {  	p1 =	seq.s32 s10, $0x1;
	s10 =	sld [smem:$0x3FB4];
	_ =	sdelay $0x3  }
0x37: {  	[smem:$0x3FB4] =	sst s10  }
0x38: {  	s10 =	sld [smem:$0x3FB5]  }
0x39: {  	_ = 	snop;
	(pc) =	sbr.ind lr, $3  }
0x3a: {  	_ = 	snop  }
0x3b: {  	_ = 	snop  }
0x3c: {  	p2 =	seq.s32 s10, $0x1;
	s10 =	sld [smem:$0x3FB4]  }
0x3d: {  	_ =	shalt  }
0x3e: {  	_ =	shalt  }
0x3f: {  	_ =	shalt  }
0x40: {  	_ =	shalt  }
0x41: {  	_ =	shalt  }
0x42: {  	_ =	shalt  }
0x43: {  	_ =	shalt  }
0x44: {  	_ =	shalt  }
0x45: {  	_ =	shalt  }
0x46: {  	_ =	shalt  }
0x47: {  	_ =	shalt  }
0x48: {  	_ =	shalt  }
0x49: {  	_ =	shalt  }
0x4a: {  	_ =	shalt  }
0x4b: {  	_ =	shalt  }
0x4c: {  	_ =	shalt  }
0x4d: {  	_ =	shalt  }
0x4e: {  	_ =	shalt  }
0x4f: {  	_ =	shalt  }
0x50: {  	_ =	shalt  }
0x51: {  	_ =	shalt  }
0x52: {  	_ =	shalt  }
0x53: {  	_ =	shalt  }
0x54: {  	_ =	shalt  }
0x55: {  	_ =	shalt  }
0x56: {  	_ =	shalt  }
0x57: {  	_ =	shalt  }
0x58: {  	_ =	shalt  }
0x59: {  	_ =	shalt  }
0x5a: {  	_ =	shalt  }
0x5b: {  	_ =	shalt  }
0x5c: {  	_ =	shalt  }
0x5d: {  	_ =	shalt  }
0x5e: {  	_ =	shalt  }
0x5f: {  	_ =	shalt  }
0x60: {  	_ =	shalt  }
0x61: {  	_ =	shalt  }
0x62: {  	_ =	shalt  }
0x63: {  	_ =	shalt  }
0x64: {  	_ =	shalt  }
0x65: {  	_ =	shalt  }
0x66: {  	_ =	shalt  }
0x67: {  	_ =	shalt  }
0x68: {  	_ =	shalt  }
0x69: {  	_ =	shalt  }
0x6a: {  	_ =	shalt  }
0x6b: {  	_ =	shalt  }
0x6c: {  	_ =	shalt  }
0x6d: {  	_ =	shalt  }
0x6e: {  	_ =	shalt  }
0x6f: {  	_ =	shalt  }
0x70: {  	_ =	shalt  }
0x71: {  	_ =	shalt  }
0x72: {  	_ =	shalt  }
0x73: {  	_ =	shalt  }
0x74: {  	_ =	shalt  }
0x75: {  	_ =	shalt  }
0x76: {  	_ =	shalt  }
0x77: {  	_ =	shalt  }
0x78: {  	_ =	shalt  }
0x79: {  	_ =	shalt  }
0x7a: {  	_ =	shalt  }
0x7b: {  	_ =	shalt  }
0x7c: {  	_ =	shalt  }
0x7d: {  	_ =	shalt  }
0x7e: {  	_ =	shalt  }
0x7f: {  	_ =	shalt  }
0x80: {  	_ =	shalt  }
0x81: {  	_ =	shalt  }
0x82: {  	_ =	shalt  }
0x83: {  	_ =	shalt  }
0x84: {  	_ =	shalt  }
0x85: {  	_ =	shalt  }
0x86: {  	_ =	shalt  }
0x87: {  	_ =	shalt  }
.Lfunc_end0:
.L_simem_size_0:
called_computation.2_lowered:
.L_overlay_start_0:
0x88: {  	s2 =	sld [smem:$0x3FD9]  }
0x89: {  	s3 =	sld [smem:$0x3FFE];
	_ =	sdelay $0x1  }
0x8a: {  	s1 =	srdreg.scid  }
0x8b: {  	s0 =	sand.u32 $0x1, s1  }
0x8c: {  	s17 =	sshll.u32 s0, $0xA;
	s2 =	sadd.s32 s3, s2  }
0x8d: {  	s2 =	sadd.s32 s2, s17  }
0x8e: {  	[smem:$0x3FC0] =	sst s2  }
0x8f: {  	_ = 	snop  }
0x90: {  	s2 =	sld [smem:$0x3FC8]  }
0x91: {  	s18 =	sld [smem:$0x3FC7]  }
0x92: {  	s4 =	sld [smem:$0x3FD0];
	(tm) =	ssettm $0x1  }
0x93: {  	s5 =	sld [smem:$0x3FFB];
	_ =	sdelay $0x3  }
0x94: {  	_ =	strace s5  }
0x95: {  	s5 =	sld [smem:$0x3FFC];
	_ =	sdelay $0x3  }
0x96: {  	_ =	strace s5  }
0x97: {  	s5 =	sld [smem:$0x3FFD];
	_ =	sdelay $0x3  }
0x98: {  	_ =	strace s5  }
0x99: {  	_ =	strace $0x8FFFFFFF  }
0x9a: {  	s19 =	sld [smem:$0x3FDB];
	_ =	sdelay $0x1  }
0x9b: {  	s6 =	simm.s32 $_scs_section_size  }
0x9c: {  	s7 =	simm.s32 $_size__tile_overlayer_lowered;
	s8 =	simm.s32 $_tile_overlayer_lowered  }
0x9d: {  	s22 =	simm.s32 $0x1BFF;
	s21 =	sshll.u32 s8, $0x1;
	s5 =	sadd.s32 s6, s19  }
0x9e: {  	s9 =	simm.s32 $0x0;
	s20 =	sshll.u32 s7, $0x1;
	s7 =	sadd.s32 s21, s5  }
0x9f: {  	[timem:s9], [sflag:s22] =	dma.local [hbm:s7], s20  }
0xa0: {  	_ =	swait.ge [sflag:s22], s20  }
0xa1: {  	s6 =	ssub.s32 $0x0, s20;
	[sflag:s22] =	ssyncset.done $0x0  }
0xa2: {  	[sflag:s22] =	ssyncadd.s32 s6;
	_ =	sdelay $0x1  }
0xa3: {  	s23 =	simm.s32 $0x1B8B  }
0xa4: {  	_ =	swait.ge [sflag:s23], $0x1  }
0xa5: {  	[sflag:s23] =	ssyncset.done $0x0  }
0xa6: {  	s25 =	simm.s32 $0x1B8E;
	s24 =	sld [smem:$0x3FFE];
	[sflag:s23] =	ssyncadd.s32 $0xFFFFFFFF  }
0xa7: {  	s26 =	simm.s32 $execute0_lowered;
	[smem:$0x3FD2] =	sst s25  }
0xa8: {  	s7 =	sshll.u32 s26, $0x1;
	_ =	strace $0x8000004C;
	[dreg:$0x1] =	wrdreg $0xFFFFFFFF  }
0xa9: {  	s28 =	simm.s32 $_size_execute0_lowered;
	s5 =	sadd.s32 s5, s7;
	[dreg:$0x0] =	wrdreg $0x0  }
0xaa: {  	s7 =	sshll.u32 s28, $0x1;
	[dreg:$0x2] =	wrdreg s5  }
0xab: {  	[dreg:$0x3] =	wrdreg s7  }
0xac: {  	[dreg:$0x4] =	wrdreg $0xC0  }
0xad: {  	_ =	task [dreg:s9], $0x5FFFF  }
0xae: {  	[dreg:$0x1] =	wrdreg $0xFFFFFFFF  }
0xaf: {  	[dreg:$0x0] =	wrdreg $0x60  }
0xb0: {  	[dreg:$0x2] =	wrdreg s4  }
0xb1: {  	[dreg:$0x3] =	wrdreg s2  }
0xb2: {  	[dreg:$0x4] =	wrdreg s18  }
0xb3: {  	[dreg:$0x5] =	wrdreg s24  }
0xb4: {  	[dreg:$0x6] =	wrdreg $0x50000  }
0xb5: {  	[dreg:$0x7] =	wrdreg $0x9  }
0xb6: {  	_ =	task.clear_ibuf [dreg:s9], $0x8FFFF;
	_ =	strace $0x9000004C  }
0xb7: {  	s29 =	simm.s32 $0x9;
	_ =	strace $0x8000004E  }
0xb8: {  	_ =	swait.ge [sflag:s29], $0x1  }
0xb9: {  	[sflag:s29] =	ssyncadd.s32 $0xFFFFFFFF  }
0xba: {  	_ =	strace $0x9000004E  }
0xbb: {  	_ =	sfence  }
0xbc: {  	s30 =	sld [smem:$0x0];
	_ =	sdelay $0x2  }
0xbd: {  	s31 =	sshll.u32 s1, $0xD;
	s1 =	sshrl.u32 s1, $0x2  }
0xbe: {  	s3 =	sand.u32 $0x4000, s31;
	s1 =	sadd.s32 s1, s30  }
0xbf: {  	s0 =	sor.u32 s3, s0;
	s1 =	sshll.u32 s1, $0x11  }
0xc0: {  	s0 =	sor.u32 s1, s0  }
0xc1: {  	s0 =	sadd.s32 $0x8F2B, s0  }
0xc2: {  	[sflag:s0] =	ssyncadd.remote.s32 $0x1  }
0xc3: {  	_ =	sfence.sel $0xFFFF  }
0xc4: {  	[dreg:$0x0] =	wrdreg $0xFFFFFFFF;
	(pc) =	sbr.abs _section_cstart, $3  }
0xc5: {  	[dreg:$0x1] =	wrdreg $0xFFFFFFFF  }
0xc6: {  	_ =	task.clear_ibuf [dreg:s9], $0x2FFFF;
	_ =	strace $0x9FFFFFFF  }
0xc7: {  	(tm) =	ssettm $0x7FFFFFFF  }
tec
execute0_lowered:
.L_overlay_start_1:
0x0: {  	(tag) =	ssettag $0x1  }
0x1: {  	s1 =	rddreg [dreg:$0x0]  }
0x2: {  	s7 =	rddreg [dreg:$0x1]  }
0x3: {  	s10 =	rddreg [dreg:$0x2]  }
0x4: {  	s5 =	rddreg [dreg:$0x3]  }
0x5: {  	s3 =	rddreg [dreg:$0x4]  }
0x6: {  	s0 =	rddreg [dreg:$0x5]  }
0x7: {  	s2 =	stileid.u32;
	s6 =	srdreg.scid  }
0x8: {  	s4 =	simm.s32 $0x0;
	s16 =	simm.s32 $0x1;
	s8 =	smul.u32 $0x14000, s2  }
0x9: {  	s17 =	simm.s32 $0x0;
	s6 =	sand.u32 $0x1, s6;
	s13 =	smul.u32 $0x50000, s2  }
0xa: {  	[smem:$0x7FF] =	sst s4;
	s29 =	smul.u32 $0x2710, s2;
	s30 =	sshll.u32 s2, $0x6  }
0xb: {  	s9 =	smul.u32 $0x140000, s6;
	s11 =	sshll.u32 s6, $0x4;
	_ =	strace $0x8000004D  }
0xc: {  	s25 =	ssub.s32 $0x2, s6;
	s14 =	smul.u32 $0x27100, s6;
	s6 =	sor.u32 $0x1C02, s30  }
0xd: {  	s12 =	sshrl.u32 s8, $0x3;
	s11 =	sor.u32 s2, s11;
	s26 =	sshrl.u32 s25, $0x1  }
0xe: {  	s28 =	sshrl.u32 s13, $0x2;
	s13 =	simm.s32 $0x2780;
	s12 =	sadd.s32 s12, s5  }
0xf: {  	s8 =	sadd.s32 s8, s9;
	s24 =	smul.u32 $0x2710, s11;
	s11 =	ssub.s32 s25, s26  }
0x10: {  	s15 =	sadd.s32 s28, s3;
	s31 =	sadd.s32 s29, s14;
	s8 =	sshrl.u32 s8, $0x3  }
0x11: {  	s14 =	simm.s32 $0x50;
	s8 =	sadd.s32 s8, s5;
	s9 =	sshrl.u32 s24, $0x3  }
0x12: {  	s5 =	sadd.s32 $0x2A00, s12;
	s12 =	sshrl.u32 s31, $0x3;
	s7 =	sadd.s32 s7, s9  }
0x13: {  	s8 =	sadd.s32 $0x7AA00, s8;
	s9 =	smax.u32 s11, $0x1;
	s10 =	sadd.s32 s12, s10  }
0x14: {  	s11 =	sshrl.u32 s15, $0x3;
	s12 =	simm.s32 $0x2;
	s15 =	simm.s32 $0x2800  }
.LBB2_1:
0x15: {  	[spmem:s11], [sflag:s6] =	dma.local [hbm:s5], $0x2800  }
0x16: {  	_ =	swait.ge [sflag:s12], $0x2800  }
0x17: {  	[sflag:s12] =	ssyncset.done $0x0  }
0x18: {  	[sflag:s12] =	ssyncadd.s32 $0xFFFFD800  }
0x19: {  	[tilespmem:s4], [sflag:$0x2] =	stream.linear.gather [hbm4b:s7+s4], $0x2710, $0x38;
	[tilespmem:$0x19000] =	vst v63  }
0x1a: {  	_ =	swait.ge [sflag:s12], $0x2710  }
0x1b: {  	[sflag:s12] =	ssyncset.done $0x0  }
0x1c: {  	[sflag:s12] =	ssyncadd.s32 $0xFFFFD8F0  }
0x1d: {  	s18 =	sadd.s32 $0x0, s10;
	[bflag:$0x0] =	sbarrier.arrive $0xFFFF  }
0x1e: {  	[tilespmem:s13], [sflag:$0x2] =	stream.linear.gather [hbm4b:s18+s4], $0x50, $0x38;
	[tilespmem:$0x19000] =	vst v63  }
0x1f: {  	_ =	swait.ge [sflag:s12], $0x50  }
0x20: {  	[sflag:s12] =	ssyncset.done $0x0  }
0x21: {  	[sflag:s12] =	ssyncadd.s32 $0xFFFFFFB0  }
0x22: {  	[tilespmem:s15], [sflag:$0x1] =	stream.indirect.gather [hbm4b:s1+s14], $0x80, s4, s14, $0xb8;
	[tilespmem:$0x19000] =	vst v63  }
0x23: {  	_ =	swait.ge [sflag:s16], $0x2800  }
0x24: {  	[sflag:s16] =	ssyncset.done $0x0  }
0x25: {  	[sflag:s16] =	ssyncadd.s32 $0xFFFFD800  }
0x26: {  	[spmem:s3] =	stream.indirect.scatter.add.f32 [tilespmem:s15], [sflag:$0x2], $0x80, s13, s14, $0xb8;
	[tilespmem:$0x19000] =	vst v63  }
0x27: {  	s19 =	simm.s32 $0xA;
	_ =	swait.ge [sflag:s12], $0x2800  }
0x28: {  	s20 =	simm.s32 $0x14;
	s18 =	simm.s32 $0x50;
	[sflag:s12] =	ssyncset.done $0x0  }
.LBB2_2:
0x29: {  	s21 =	sadd.s32 s19, s10  }
0x2a: {  	[sflag:s12] =	ssyncadd.s32 $0xFFFFD800;
	s19 =	smov.u32 s20;
	s22 =	sadd.s32 $0xA, s20  }
0x2b: {  	[tilespmem:s13], [sflag:$0x2] =	stream.linear.gather [hbm4b:s21+s4], $0x50, $0x38;
	[tilespmem:$0x19000] =	vst v63  }
0x2c: {  	p0 =	sne.s32 s20, $0x4D8;
	_ =	swait.ge [sflag:s12], $0x50  }
0x2d: {  	[sflag:s12] =	ssyncset.done $0x0  }
0x2e: {  	[sflag:s12] =	ssyncadd.s32 $0xFFFFFFB0  }
0x2f: {  	[tilespmem:s15], [sflag:$0x1] =	stream.indirect.gather [hbm4b:s1+s14], $0x80, s18, s14, $0xb8;
	[tilespmem:$0x19000] =	vst v63  }
0x30: {  	_ =	swait.ge [sflag:s16], $0x2800  }
.Ltmp0:
0x31: {  	[sflag:s16] =	ssyncset.done $0x0;
	(pc) =	sbr.rel @p0 .LBB2_2-.Ltmp0, $4  }
0x32: {  	[sflag:s16] =	ssyncadd.s32 $0xFFFFD800  }
0x33: {  	[spmem:s3] =	stream.indirect.scatter.add.f32 [tilespmem:s15], [sflag:$0x2], $0x80, s13, s14, $0xb8;
	[tilespmem:$0x19000] =	vst v63  }
0x34: {  	_ =	swait.ge [sflag:s12], $0x2800  }
0x35: {  	s20 =	smov.u32 s22;
	s18 =	sadd.s32 $0x50, s18;
	[sflag:s12] =	ssyncset.done $0x0  }
0x36: {  	s19 =	sadd.s32 s19, s10;
	[sflag:s12] =	ssyncadd.s32 $0xFFFFD800  }
0x37: {  	[tilespmem:s13], [sflag:$0x2] =	stream.linear.gather [hbm4b:s19+s4], $0x50, $0x38;
	[tilespmem:$0x19000] =	vst v63  }
0x38: {  	_ =	swait.ge [sflag:s12], $0x50  }
0x39: {  	[sflag:s12] =	ssyncset.done $0x0  }
0x3a: {  	[sflag:s12] =	ssyncadd.s32 $0xFFFFFFB0  }
0x3b: {  	[tilespmem:s15], [sflag:$0x1] =	stream.indirect.gather [hbm4b:s1+s14], $0x80, s18, s14, $0xb8;
	[tilespmem:$0x19000] =	vst v63  }
0x3c: {  	_ =	swait.ge [sflag:s16], $0x2800  }
0x3d: {  	[sflag:s16] =	ssyncset.done $0x0  }
0x3e: {  	[sflag:s16] =	ssyncadd.s32 $0xFFFFD800  }
0x3f: {  	[spmem:s3] =	stream.indirect.scatter.add.f32 [tilespmem:s15], [sflag:$0x2], $0x80, s13, s14, $0xb8;
	[tilespmem:$0x19000] =	vst v63  }
0x40: {  	_ =	swait.ge [sflag:s12], $0x2800  }
0x41: {  	s17 =	sadd.s32 $0x1, s17;
	[sflag:s12] =	ssyncset.done $0x0  }
0x42: {  	p0 =	sne.s32 s17, s9;
	[sflag:s12] =	ssyncadd.s32 $0xFFFFD800  }
.Ltmp1:
0x43: {  	[bflag:$0x0] =	sbarrier.arrive $0xFFFF;
	(pc) =	sbr.rel @p0 .LBB2_1-.Ltmp1, $4  }
0x44: {  	[hbm:s8], [sflag:s6] =	dma.local [spmem:s11], $0x2800  }
0x45: {  	_ =	swait.ge [sflag:s12], $0x2800  }
0x46: {  	[sflag:s12] =	ssyncset.done $0x0  }
0x47: {  	[sflag:s12] =	ssyncadd.s32 $0xFFFFD800  }
0x48: {  	_ =	sfence.sel $0x180000  }
0x49: {  	[bflag:$0x0] =	sbarrier.arrive $0xFFFF  }
0x4a: {  	p0 =	sne.s32 s2, $0x0;
	_ =	strace $0x9000004D  }
0x4b: {  	s0 =	sadd.s32 @!p0 $0x100000, s0;
	[bflag:$0x2] =	sbarrier.arrive $0xFFFF  }
0x4c: {  	[sflag:s0] =	ssyncadd.tile.s32 @!p0 $0x1;
	_ =	shalt  }
.Lfunc_end2:
_tile_overlayer_lowered:
.L_overlay_start_2:
0x4d: {  	(tag) =	ssettag $0x2  }
0x4e: {  	s0 =	rddreg [dreg:$0x0];
	s2 =	stileid.u32  }
0x4f: {  	s1 =	rddreg [dreg:$0x1];
	p0 =	sne.s32 s2, $0x0  }
0x50: {  	s3 =	rddreg [dreg:$0x2];
	[bflag:$0x3] =	sbarrier.arrive $0xFFFF;
	s2 =	simm.s32 @!p0 $0x1C02  }
0x51: {  	[timem:s3], [sflag:s2] =	dma.local @!p0 [hbm:s0], s1  }
0x52: {  	s0 =	simm.s32 @!p0 $0x2  }
0x53: {  	_ =	swait.ge @!p0 [sflag:s0], s1  }
0x54: {  	s1 =	ssub.s32 @!p0 $0x0, s1;
	[sflag:s0] =	ssyncset.done @!p0 $0x0  }
0x55: {  	[sflag:s0] =	ssyncadd.s32 @!p0 s1  }
0x56: {  	[bflag:$0x3] =	sbarrier.arrive $0xFFFF  }
0x57: {  	_ =	shalt  }

// kernel: _run.8.cloned.1.call-start
scs
__scs_entry_jumppad:
0x0: {  	(pc) =	sbr.rel $0x88, $3  }
0x1: {  	(tag) =	ssettag $0x0;
	lr =	simm.s32 $0x1  }
0x2: {  	[smem:$0x3F99] =	sst lr;
	_ =	strace $0xD0000000  }
0x3: {  	_ = 	snop  }
0x4: {  	_ = 	snop  }
0x5: {  	_ = 	snop  }
0x6: {  	_ = 	snop  }
0x7: {  	_ = 	snop  }
__scs_overlays_trampoline_lowered:
0x8: {  	[smem:$0x3FA8] =	sst s0  }
0x9: {  	[smem:$0x3FA9] =	sst s1  }
0xa: {  	[smem:$0x3FAA] =	sst s2  }
0xb: {  	[smem:$0x3FAB] =	sst s3  }
0xc: {  	[smem:$0x3FAC] =	sst s4  }
0xd: {  	[smem:$0x3FAD] =	sst s5  }
0xe: {  	[smem:$0x3FAE] =	sst s6  }
0xf: {  	[smem:$0x3FAF] =	sst s7  }
0x10: {  	[smem:$0x3FB0] =	sst s8  }
0x11: {  	[smem:$0x3FB1] =	sst s9;
	s0 =	simm.s32 @!p0 $0x0  }
0x12: {  	s1 =	sld [smem:$0x3F97];
	s0 =	simm.s32 @p0 $0x1  }
0x13: {  	[smem:$0x3FB2] =	sst s0;
	s0 =	simm.s32 @!p1 $0x0  }
0x14: {  	s2 =	sld [smem:$0x3F96];
	s0 =	simm.s32 @p1 $0x1  }
0x15: {  	[smem:$0x3FB3] =	sst s0;
	s0 =	simm.s32 @!p2 $0x0  }
0x16: {  	s3 =	sld [smem:$0x3FDB];
	s0 =	simm.s32 @p2 $0x1  }
0x17: {  	s4 =	simm.s32 $0x1BF5;
	[smem:$0x3FB5] =	sst s0  }
0x18: {  	s0 =	sld [smem:$0x3F98];
	_ =	swait.ge [sflag:s4], $0x0  }
0x19: {  	s7 =	sld [smem:$0x3F99]  }
0x1a: {  	s8 =	sadd.s32 $0xFFFFE003, lr  }
0x1b: {  	s9 =	sadd.s32 $0xFFFFFEF7, lr;
	s5 =	simm.s32 $0xFFFFFFFF;
	p2 =	slt.u32 s8, $0xFFFFF086  }
0x1c: {  	p1 =	slt.u32 s9, $0xF7A;
	s5 =	simm.s32 @!p2 $0x0  }
0x1d: {  	s5 =	simm.s32 @p1 $0x1;
	p0 =	seq.s32 s7, s2  }
0x1e: {  	s7 =	smul.u32 @!p0 $0xF7A, s2;
	p2 =	seq.s32 @!p0 s5, $0x0  }
0x1f: {  	s9 =	smul.u32 $0xF7A, s1;
	s8 =	simm.s32 @!p0 $0x1BF5;
	p2 =	por !p2, p0  }
0x20: {  	[sflag:s8] =	ssyncset.s32 @!p0 $0xFFFFF086;
	s6 =	sadd.s32 @!p0 s3, s7;
	s7 =	simm.s32 @!p0 $0x108  }
0x21: {  	s3 =	sadd.s32 s3, s9;
	s6 =	sadd.s32 @!p0 $0x88, s6;
	s7 =	simm.s32 @p2 $0x1082  }
0x22: {  	[simem:s7], [sflag:s8] =	dma.local @!p0 [hbm:s6], $0xF7A  }
0x23: {  	s9 =	sor.u32 $0xD0000000, s2;
	s6 =	simm.s32 $0x108;
	_ =	swait.ge @!p0 [sflag:s8], $0x0  }
0x24: {  	s3 =	sadd.s32 $0x88, s3;
	s6 =	simm.s32 @!p1 $0x1082;
	[sflag:s4] =	ssyncset.s32 $0xFFFFF086  }
0x25: {  	[simem:s6], [sflag:s4] =	dma.local [hbm:s3], $0xF7A  }
0x26: {  	[smem:$0x3F99] =	sst s1;
	(tag) =	ssettag s2;
	_ =	strace s9  }
0x27: {  	s1 =	sld [smem:$0x3FA9]  }
0x28: {  	s2 =	sld [smem:$0x3FAA]  }
0x29: {  	s4 =	sld [smem:$0x3FAC]  }
0x2a: {  	p0 =	seq.s32 s5, $0x0;
	s5 =	sld [smem:$0x3FAD]  }
0x2b: {  	s6 =	sld [smem:$0x3FAE]  }
0x2c: {  	s7 =	sld [smem:$0x3FAF]  }
0x2d: {  	s3 =	simm.s32 $0x108;
	s8 =	sld [smem:$0x3FB0]  }
0x2e: {  	s3 =	simm.s32 @!p0 $0x1082;
	s9 =	sld [smem:$0x3FB1]  }
0x2f: {  	lr =	sadd.s32 s0, s3;
	s0 =	sld [smem:$0x3FA8]  }
0x30: {  	s3 =	sld [smem:$0x3FAB]  }
0x31: {  	[smem:$0x3FB4] =	sst s10  }
0x32: {  	s10 =	sld [smem:$0x3FB2];
	_ =	sdelay $0x3  }
0x33: {  	p0 =	seq.s32 s10, $0x1;
	s10 =	sld [smem:$0x3FB4];
	_ =	sdelay $0x3  }
0x34: {  	[smem:$0x3FB4] =	sst s10  }
0x35: {  	s10 =	sld [smem:$0x3FB3];
	_ =	sdelay $0x3  }
0x36: {  	p1 =	seq.s32 s10, $0x1;
	s10 =	sld [smem:$0x3FB4];
	_ =	sdelay $0x3  }
0x37: {  	[smem:$0x3FB4] =	sst s10  }
0x38: {  	s10 =	sld [smem:$0x3FB5]  }
0x39: {  	_ = 	snop;
	(pc) =	sbr.ind lr, $3  }
0x3a: {  	_ = 	snop  }
0x3b: {  	_ = 	snop  }
0x3c: {  	p2 =	seq.s32 s10, $0x1;
	s10 =	sld [smem:$0x3FB4]  }
0x3d: {  	_ =	shalt  }
0x3e: {  	_ =	shalt  }
0x3f: {  	_ =	shalt  }
0x40: {  	_ =	shalt  }
0x41: {  	_ =	shalt  }
0x42: {  	_ =	shalt  }
0x43: {  	_ =	shalt  }
0x44: {  	_ =	shalt  }
0x45: {  	_ =	shalt  }
0x46: {  	_ =	shalt  }
0x47: {  	_ =	shalt  }
0x48: {  	_ =	shalt  }
0x49: {  	_ =	shalt  }
0x4a: {  	_ =	shalt  }
0x4b: {  	_ =	shalt  }
0x4c: {  	_ =	shalt  }
0x4d: {  	_ =	shalt  }
0x4e: {  	_ =	shalt  }
0x4f: {  	_ =	shalt  }
0x50: {  	_ =	shalt  }
0x51: {  	_ =	shalt  }
0x52: {  	_ =	shalt  }
0x53: {  	_ =	shalt  }
0x54: {  	_ =	shalt  }
0x55: {  	_ =	shalt  }
0x56: {  	_ =	shalt  }
0x57: {  	_ =	shalt  }
0x58: {  	_ =	shalt  }
0x59: {  	_ =	shalt  }
0x5a: {  	_ =	shalt  }
0x5b: {  	_ =	shalt  }
0x5c: {  	_ =	shalt  }
0x5d: {  	_ =	shalt  }
0x5e: {  	_ =	shalt  }
0x5f: {  	_ =	shalt  }
0x60: {  	_ =	shalt  }
0x61: {  	_ =	shalt  }
0x62: {  	_ =	shalt  }
0x63: {  	_ =	shalt  }
0x64: {  	_ =	shalt  }
0x65: {  	_ =	shalt  }
0x66: {  	_ =	shalt  }
0x67: {  	_ =	shalt  }
0x68: {  	_ =	shalt  }
0x69: {  	_ =	shalt  }
0x6a: {  	_ =	shalt  }
0x6b: {  	_ =	shalt  }
0x6c: {  	_ =	shalt  }
0x6d: {  	_ =	shalt  }
0x6e: {  	_ =	shalt  }
0x6f: {  	_ =	shalt  }
0x70: {  	_ =	shalt  }
0x71: {  	_ =	shalt  }
0x72: {  	_ =	shalt  }
0x73: {  	_ =	shalt  }
0x74: {  	_ =	shalt  }
0x75: {  	_ =	shalt  }
0x76: {  	_ =	shalt  }
0x77: {  	_ =	shalt  }
0x78: {  	_ =	shalt  }
0x79: {  	_ =	shalt  }
0x7a: {  	_ =	shalt  }
0x7b: {  	_ =	shalt  }
0x7c: {  	_ =	shalt  }
0x7d: {  	_ =	shalt  }
0x7e: {  	_ =	shalt  }
0x7f: {  	_ =	shalt  }
0x80: {  	_ =	shalt  }
0x81: {  	_ =	shalt  }
0x82: {  	_ =	shalt  }
0x83: {  	_ =	shalt  }
0x84: {  	_ =	shalt  }
0x85: {  	_ =	shalt  }
0x86: {  	_ =	shalt  }
0x87: {  	_ =	shalt  }
.Lfunc_end0:
.L_simem_size_0:
called_computation_lowered:
.L_overlay_start_0:
0x88: {  	s2 =	sld [smem:$0x3FD9]  }
0x89: {  	s3 =	sld [smem:$0x3FFE];
	_ =	sdelay $0x1  }
0x8a: {  	s1 =	srdreg.scid  }
0x8b: {  	s0 =	sand.u32 $0x1, s1  }
0x8c: {  	s17 =	sshll.u32 s0, $0xA;
	s2 =	sadd.s32 s3, s2  }
0x8d: {  	s2 =	sadd.s32 s2, s17  }
0x8e: {  	[smem:$0x3FC0] =	sst s2  }
0x8f: {  	_ = 	snop  }
0x90: {  	s2 =	sld [smem:$0x3FC6]  }
0x91: {  	s18 =	sld [smem:$0x3FD0];
	(tm) =	ssettm $0x1  }
0x92: {  	s4 =	sld [smem:$0x3FFB];
	_ =	sdelay $0x3  }
0x93: {  	_ =	strace s4  }
0x94: {  	s4 =	sld [smem:$0x3FFC];
	_ =	sdelay $0x3  }
0x95: {  	_ =	strace s4  }
0x96: {  	s4 =	sld [smem:$0x3FFD];
	_ =	sdelay $0x3  }
0x97: {  	_ =	strace s4  }
0x98: {  	_ =	strace $0x8FFFFFFF  }
0x99: {  	s19 =	sld [smem:$0x3FDB];
	_ =	sdelay $0x1  }
0x9a: {  	s5 =	simm.s32 $_scs_section_size  }
0x9b: {  	s6 =	simm.s32 $_size__tile_overlayer_lowered;
	s7 =	simm.s32 $_tile_overlayer_lowered  }
0x9c: {  	s22 =	simm.s32 $0x1BFF;
	s21 =	sshll.u32 s7, $0x1;
	s4 =	sadd.s32 s5, s19  }
0x9d: {  	s8 =	simm.s32 $0x0;
	s20 =	sshll.u32 s6, $0x1;
	s6 =	sadd.s32 s21, s4  }
0x9e: {  	[timem:s8], [sflag:s22] =	dma.local [hbm:s6], s20  }
0x9f: {  	_ =	swait.ge [sflag:s22], s20  }
0xa0: {  	s5 =	ssub.s32 $0x0, s20;
	[sflag:s22] =	ssyncset.done $0x0  }
0xa1: {  	[sflag:s22] =	ssyncadd.s32 s5;
	_ =	sdelay $0x1  }
0xa2: {  	s23 =	simm.s32 $0x1B8B  }
0xa3: {  	_ =	swait.ge [sflag:s23], $0x1  }
0xa4: {  	[sflag:s23] =	ssyncset.done $0x0  }
0xa5: {  	s25 =	simm.s32 $0x1B8E;
	s24 =	sld [smem:$0x3FFE];
	[sflag:s23] =	ssyncadd.s32 $0xFFFFFFFF  }
0xa6: {  	s26 =	simm.s32 $execute0_lowered;
	[smem:$0x3FD2] =	sst s25  }
0xa7: {  	s6 =	sshll.u32 s26, $0x1;
	_ =	strace $0x80000046;
	[dreg:$0x1] =	wrdreg $0xFFFFFFFF  }
0xa8: {  	s28 =	simm.s32 $_size_execute0_lowered;
	s4 =	sadd.s32 s4, s6;
	[dreg:$0x0] =	wrdreg $0x0  }
0xa9: {  	s6 =	sshll.u32 s28, $0x1;
	[dreg:$0x2] =	wrdreg s4  }
0xaa: {  	[dreg:$0x3] =	wrdreg s6  }
0xab: {  	[dreg:$0x4] =	wrdreg $0xC0  }
0xac: {  	_ =	task [dreg:s8], $0x5FFFF  }
0xad: {  	[dreg:$0x1] =	wrdreg $0xFFFFFFFF  }
0xae: {  	[dreg:$0x0] =	wrdreg $0x60  }
0xaf: {  	[dreg:$0x2] =	wrdreg s2  }
0xb0: {  	[dreg:$0x3] =	wrdreg s18  }
0xb1: {  	[dreg:$0x4] =	wrdreg s24  }
0xb2: {  	[dreg:$0x5] =	wrdreg $0x40800  }
0xb3: {  	[dreg:$0x6] =	wrdreg $0x9  }
0xb4: {  	_ =	task.clear_ibuf [dreg:s8], $0x7FFFF;
	_ =	strace $0x90000046  }
0xb5: {  	s29 =	simm.s32 $0x9;
	_ =	strace $0x80000048  }
0xb6: {  	_ =	swait.ge [sflag:s29], $0x1  }
0xb7: {  	[sflag:s29] =	ssyncadd.s32 $0xFFFFFFFF  }
0xb8: {  	_ =	strace $0x90000048  }
0xb9: {  	_ =	sfence  }
0xba: {  	s30 =	sld [smem:$0x0];
	_ =	sdelay $0x2  }
0xbb: {  	s31 =	sshll.u32 s1, $0xD;
	s1 =	sshrl.u32 s1, $0x2  }
0xbc: {  	s3 =	sand.u32 $0x4000, s31;
	s1 =	sadd.s32 s1, s30  }
0xbd: {  	s0 =	sor.u32 s3, s0;
	s1 =	sshll.u32 s1, $0x11  }
0xbe: {  	s0 =	sor.u32 s1, s0  }
0xbf: {  	s0 =	sadd.s32 $0x8F2B, s0  }
0xc0: {  	[sflag:s0] =	ssyncadd.remote.s32 $0x1  }
0xc1: {  	_ =	sfence.sel $0xFFFF  }
0xc2: {  	[dreg:$0x0] =	wrdreg $0xFFFFFFFF;
	(pc) =	sbr.abs _section_cstart, $3  }
0xc3: {  	[dreg:$0x1] =	wrdreg $0xFFFFFFFF  }
0xc4: {  	_ =	task.clear_ibuf [dreg:s8], $0x2FFFF;
	_ =	strace $0x9FFFFFFF  }
0xc5: {  	(tm) =	ssettm $0x7FFFFFFF  }
tec
execute0_lowered:
.L_overlay_start_1:
0x0: {  	(tag) =	ssettag $0x1  }
0x1: {  	s8 =	rddreg [dreg:$0x0]  }
0x2: {  	s2 =	rddreg [dreg:$0x1]  }
0x3: {  	s5 =	rddreg [dreg:$0x2]  }
0x4: {  	s3 =	rddreg [dreg:$0x3];
	s1 =	stileid.u32  }
0x5: {  	s0 =	rddreg [dreg:$0x4];
	s7 =	smul.u32 $0x14000, s1  }
0x6: {  	s6 =	srdreg.scid;
	s4 =	simm.s32 $0x0;
	s26 =	smul.u32 $0x50000, s1  }
0x7: {  	s13 =	simm.s32 $0x0;
	s6 =	sand.u32 $0x1, s6;
	s31 =	smul.u32 $0x4F0, s1  }
0x8: {  	[smem:$0x7FF] =	sst s4;
	s30 =	sshll.u32 s1, $0x6;
	s9 =	smul.u32 $0x140000, s6  }
0x9: {  	_ =	strace $0x80000047;
	s11 =	ssub.s32 $0x2, s6;
	s29 =	smul.u32 $0x4F00, s6  }
0xa: {  	s6 =	sor.u32 $0x1C01, s30;
	s10 =	sshrl.u32 s7, $0x3;
	s28 =	sshrl.u32 s11, $0x1  }
0xb: {  	s7 =	sadd.s32 s7, s9;
	s10 =	sadd.s32 s10, s5;
	s9 =	sshrl.u32 s26, $0x2  }
0xc: {  	s11 =	ssub.s32 s11, s28;
	s7 =	sshrl.u32 s7, $0x3;
	s12 =	sadd.s32 s9, s3  }
0xd: {  	s9 =	sadd.s32 s29, s8;
	s8 =	smax.u32 s11, $0x1;
	s11 =	simm.s32 $0x1  }
0xe: {  	s7 =	sadd.s32 s7, s5;
	s5 =	sadd.s32 $0x2A00, s10;
	s9 =	sadd.s32 s31, s9  }
0xf: {  	s10 =	sshrl.u32 s12, $0x3;
	s12 =	simm.s32 $0x80;
	s7 =	sadd.s32 $0x2AA00, s7  }
.LBB2_1:
0x10: {  	[spmem:s10], [sflag:s6] =	dma.local [hbm:s5], $0x2800  }
0x11: {  	_ =	swait.ge [sflag:s11], $0x2800  }
0x12: {  	[sflag:s11] =	ssyncset.done $0x0  }
0x13: {  	[sflag:s11] =	ssyncadd.s32 $0xFFFFD800  }
0x14: {  	[tilespmem:s12], [sflag:$0x1] =	stream.linear.gather [hbm4b:s2+s4], $0x4000, $0x38;
	[tilespmem:$0x18080] =	vst v63  }
0x15: {  	_ =	swait.ge [sflag:s11], $0x4000  }
0x16: {  	[sflag:s11] =	ssyncset.done $0x0  }
0x17: {  	[sflag:s11] =	ssyncadd.s32 $0xFFFFC000  }
0x18: {  	s14 =	sadd.s32 $0x0, s9;
	[bflag:$0x0] =	sbarrier.arrive $0xFFFF  }
0x19: {  	[tilespmem:s4], [sflag:$0x1] =	stream.linear.gather [hbm4b:s14+s4], $0x80, $0x38;
	[tilespmem:$0x18080] =	vst v63  }
0x1a: {  	_ =	swait.ge [sflag:s11], $0x80  }
0x1b: {  	[sflag:s11] =	ssyncset.done $0x0  }
0x1c: {  	[sflag:s11] =	ssyncadd.s32 $0xFFFFFF80  }
0x1d: {  	[spmem:s3] =	stream.indirect.scatter.add.f32 [tilespmem:s12], [sflag:$0x1], $0x80, s4, s12, $0xb8;
	[tilespmem:$0x18080] =	vst v63  }
0x1e: {  	_ =	swait.ge [sflag:s11], $0x4000  }
0x1f: {  	s15 =	simm.s32 $0x20;
	s14 =	simm.s32 $0x10;
	[sflag:s11] =	ssyncset.done $0x0  }
.LBB2_2:
0x20: {  	s16 =	sadd.s32 s14, s9  }
0x21: {  	[sflag:s11] =	ssyncadd.s32 $0xFFFFC000;
	s14 =	smov.u32 s15;
	s17 =	sadd.s32 $0x10, s15  }
0x22: {  	[tilespmem:s4], [sflag:$0x1] =	stream.linear.gather [hbm4b:s16+s4], $0x80, $0x38;
	[tilespmem:$0x18080] =	vst v63  }
0x23: {  	p0 =	sne.s32 s15, $0x4E0;
	_ =	swait.ge [sflag:s11], $0x80  }
.Ltmp0:
0x24: {  	[sflag:s11] =	ssyncset.done $0x0;
	(pc) =	sbr.rel @p0 .LBB2_2-.Ltmp0, $4  }
0x25: {  	[sflag:s11] =	ssyncadd.s32 $0xFFFFFF80  }
0x26: {  	[spmem:s3] =	stream.indirect.scatter.add.f32 [tilespmem:s12], [sflag:$0x1], $0x80, s4, s12, $0xb8;
	[tilespmem:$0x18080] =	vst v63  }
0x27: {  	_ =	swait.ge [sflag:s11], $0x4000  }
0x28: {  	s15 =	smov.u32 s17;
	[sflag:s11] =	ssyncset.done $0x0  }
0x29: {  	s14 =	sadd.s32 s14, s9;
	[sflag:s11] =	ssyncadd.s32 $0xFFFFC000  }
0x2a: {  	[tilespmem:s4], [sflag:$0x1] =	stream.linear.gather [hbm4b:s14+s4], $0x80, $0x38;
	[tilespmem:$0x18080] =	vst v63  }
0x2b: {  	_ =	swait.ge [sflag:s11], $0x80  }
0x2c: {  	[sflag:s11] =	ssyncset.done $0x0  }
0x2d: {  	[sflag:s11] =	ssyncadd.s32 $0xFFFFFF80  }
0x2e: {  	[spmem:s3] =	stream.indirect.scatter.add.f32 [tilespmem:s12], [sflag:$0x1], $0x80, s4, s12, $0xb8;
	[tilespmem:$0x18080] =	vst v63  }
0x2f: {  	_ =	swait.ge [sflag:s11], $0x4000  }
0x30: {  	s13 =	sadd.s32 $0x1, s13;
	[sflag:s11] =	ssyncset.done $0x0  }
0x31: {  	p0 =	sne.s32 s13, s8;
	[sflag:s11] =	ssyncadd.s32 $0xFFFFC000  }
.Ltmp1:
0x32: {  	[bflag:$0x0] =	sbarrier.arrive $0xFFFF;
	(pc) =	sbr.rel @p0 .LBB2_1-.Ltmp1, $4  }
0x33: {  	[hbm:s7], [sflag:s6] =	dma.local [spmem:s10], $0x2800  }
0x34: {  	_ =	swait.ge [sflag:s11], $0x2800  }
0x35: {  	[sflag:s11] =	ssyncset.done $0x0  }
0x36: {  	[sflag:s11] =	ssyncadd.s32 $0xFFFFD800  }
0x37: {  	_ =	sfence.sel $0x180000  }
0x38: {  	[bflag:$0x0] =	sbarrier.arrive $0xFFFF  }
0x39: {  	p0 =	sne.s32 s1, $0x0;
	_ =	strace $0x90000047  }
0x3a: {  	s0 =	sadd.s32 @!p0 $0x100000, s0;
	[bflag:$0x2] =	sbarrier.arrive $0xFFFF  }
0x3b: {  	[sflag:s0] =	ssyncadd.tile.s32 @!p0 $0x1;
	_ =	shalt  }
.Lfunc_end2:
_tile_overlayer_lowered:
.L_overlay_start_2:
0x3c: {  	(tag) =	ssettag $0x2  }
0x3d: {  	s0 =	rddreg [dreg:$0x0];
	s2 =	stileid.u32  }
0x3e: {  	s1 =	rddreg [dreg:$0x1];
	p0 =	sne.s32 s2, $0x0  }
0x3f: {  	s3 =	rddreg [dreg:$0x2];
	[bflag:$0x3] =	sbarrier.arrive $0xFFFF;
	s2 =	simm.s32 @!p0 $0x1C01  }
0x40: {  	[timem:s3], [sflag:s2] =	dma.local @!p0 [hbm:s0], s1  }
0x41: {  	s0 =	simm.s32 @!p0 $0x1  }
0x42: {  	_ =	swait.ge @!p0 [sflag:s0], s1  }
0x43: {  	s1 =	ssub.s32 @!p0 $0x0, s1;
	[sflag:s0] =	ssyncset.done @!p0 $0x0  }
0x44: {  	[sflag:s0] =	ssyncadd.s32 @!p0 s1  }
0x45: {  	[bflag:$0x3] =	sbarrier.arrive $0xFFFF  }
0x46: {  	_ =	shalt  }

</sc_bundles>
